<compile_context>
chip_gen: v7x
topology: tpu7x:2x2x1
jax: 0.10.2.dev20260603
libtpu: 0.0.44.dev20260713+nightly
codegen_flags: <defaults>
</compile_context>

<pallas_src>
import functools

import jax
import jax.numpy as jnp
from jax import lax
from jax.experimental import pallas as pl
from jax.experimental.pallas import tpu as pltpu
from jax.experimental.pallas import tpu_sc as plsc

N_WORKERS = 32
CHUNK = 4096


def _build_colgather(B, F, V, D):
    n_pairs = F * D
    pairs_per_w = n_pairs // N_WORKERS
    n_chunks = B // CHUNK
    mesh = plsc.VectorSubcoreMesh(core_axis_name="c", subcore_axis_name="s")

    @functools.partial(
        pl.kernel,
        mesh=mesh,
        out_type=jax.ShapeDtypeStruct((n_pairs, B), jnp.float32),
        scratch_types=[
            pltpu.VMEM((V,), jnp.float32),
            pltpu.VMEM((B,), jnp.int32),
            pltpu.VMEM((2, CHUNK), jnp.float32),
            pltpu.SemaphoreType.DMA,
            pltpu.SemaphoreType.DMA((2,)),
        ],
        compiler_params=pltpu.CompilerParams(needs_layout_passes=False),
    )
    def colgather_kernel(xt_hbm, tabt_hbm, out_hbm, col_v, idx_v, res_v, semc, sems):
        wid = lax.axis_index("s") * 2 + lax.axis_index("c")

        def store_cp(g, c, b):
            return pltpu.make_async_copy(
                res_v.at[b], out_hbm.at[g, pl.ds(c * CHUNK, CHUNK)], sems.at[b]
            )

        def pair_body(j, f_prev):
            g = wid * pairs_per_w + j
            f = g // D
            col_cp = pltpu.make_async_copy(tabt_hbm.at[g], col_v, semc)
            col_cp.start()

            @pl.when(f != f_prev)
            def _():
                pltpu.sync_copy(xt_hbm.at[f], idx_v)

            col_cp.wait()
            for c in range(n_chunks):
                b = c % 2

                @pl.when(j * n_chunks + c >= 2)
                def _():
                    store_cp(g, c, b).wait()

                @plsc.parallel_loop(0, CHUNK, step=16, unroll=8)
                def _(i):
                    idx16 = idx_v[pl.ds(c * CHUNK + i, 16)]
                    res_v[b, pl.ds(i, 16)] = plsc.load_gather(col_v, [idx16])

                store_cp(g, c, b).start()
            return f

        lax.fori_loop(0, pairs_per_w, pair_body, jnp.int32(-1))
        g_last = wid * pairs_per_w + pairs_per_w - 1
        for c in (n_chunks - 2, n_chunks - 1):
            store_cp(g_last, c, c % 2).wait()

    return colgather_kernel


def kernel(x, tables):
    B, F = x.shape
    _, V, D = tables.shape
    tabt = tables.transpose(0, 2, 1).reshape(F * D, V)
    xt = x.T
    out = _build_colgather(B, F, V, D)(xt, tabt)
    return out.T

# --- scband reference (transcript-rebuilt; emitter-appended) ---
"""Pipeline reference for scband-cat-embeddings-26774826123300 (READ-ONLY COPY).

The authoritative reference and input builder live on the scoring server;
editing this copy changes nothing except your own understanding.
"""

import jax, jax.numpy as jnp
import numpy as np

N_FIELDS = 26
VOCAB = 100000
DIM = 32
BATCH = 16384


def setup_inputs(seed: int = 0) -> dict:
    key = jax.random.key(seed)
    k1, k2 = jax.random.split(key)
    x = jax.random.randint(k1, (BATCH, N_FIELDS), 0, VOCAB, dtype=jnp.int32)
    # 26 embedding tables, each [VOCAB, DIM], matching nn.Embedding default init N(0,1)
    tables = jax.random.normal(k2, (N_FIELDS, VOCAB, DIM), dtype=jnp.float32)
    return {"x": x, "tables": tables}


def reference(x, tables):
    # x: int[BATCH, N_FIELDS]; tables: float32[N_FIELDS, VOCAB, DIM]
    # Faithful to torch: per-column embedding lookup, then concat along dim=1.
    embeds = [jnp.take(tables[i], x[:, i], axis=0) for i in range(N_FIELDS)]
    embed = jnp.concatenate(embeds, axis=1)  # [BATCH, N_FIELDS * DIM]
    return embed

if __name__ == "__main__":
    import jax
    _d = setup_inputs()
    print(jax.jit(kernel)(*tuple(_d.values())))

</pallas_src>

<mosaic_0001>
#map = affine_map<(d0, d1) -> (0, 0)>
module attributes {stable_mosaic.version = 14 : i64} {
  func.func @colgather_kernel(%arg0: i32, %arg1: i32, %arg2: memref<26x16384xi32, #tpu.memory_space<hbm>>, %arg3: memref<832x100000xf32, #tpu.memory_space<hbm>>, %arg4: memref<832x16384xf32, #tpu.memory_space<hbm>>, %arg5: memref<100000xf32, #tpu.memory_space<vmem>>, %arg6: memref<16384xi32, #tpu.memory_space<vmem>>, %arg7: memref<2x4096xf32, #tpu.memory_space<vmem>>, %arg8: memref<!tpu.dma_semaphore, #tpu.memory_space<semaphore_mem>>, %arg9: memref<2x!tpu.dma_semaphore, #tpu.memory_space<semaphore_mem>>) attributes {dimension_semantics = [#tpu.dimension_semantics<core_parallel>, #tpu.dimension_semantics<subcore_parallel>], iteration_bounds = array<i64: 2, 16>, scalar_prefetch = 0 : i64, scratch_operands = 5 : i64, tpu.core_type = #tpu.core_type<sc_vector_subcore>, window_params = [{transform_indices = #map}, {transform_indices = #map}, {transform_indices = #map}]} {
    %mul3A = arith.constant 2 : i32
    %mul3A_0 = arith.muli %arg1, %mul3A : i32
    %add3A = arith.addi %mul3A_0, %arg0 : i32
    %scan3A = arith.constant -1 : i32
    %scan3A_1 = arith.constant 0 : i32
    %scan3A_2 = arith.constant 26 : i32
    %scan3A_3 = arith.addi %scan3A_1, %scan3A_2 : i32
    %scan3A_4 = arith.constant 1 : i32
    %scan3A_5 = scf.for %scan3A_43 = %scan3A_1 to %scan3A_3 step %scan3A_4 iter_args(%scan3A_44 = %scan3A) -> (i32)  : i32 {
      %mul3A_45 = arith.constant 26 : i32
      %mul3A_46 = arith.muli %add3A, %mul3A_45 : i32
      %add3A_47 = arith.addi %mul3A_46, %scan3A_43 : i32
      %jit3A = arith.constant 32 : i32
      %div3A = arith.divsi %add3A_47, %jit3A : i32
      %sign3A = arith.constant 0 : i32
      %sign3A_48 = arith.cmpi sgt, %add3A_47, %sign3A : i32
      %sign3A_49 = arith.extui %sign3A_48 : i1 to i32
      %sign3A_50 = arith.constant 0 : i32
      %sign3A_51 = arith.cmpi slt, %add3A_47, %sign3A_50 : i32
      %sign3A_52 = arith.extui %sign3A_51 : i1 to i32
      %sign3A_53 = arith.subi %sign3A_49, %sign3A_52 : i32
      %sign3A_54 = arith.constant 0 : i32
      %sign3A_55 = arith.cmpi sgt, %jit3A, %sign3A_54 : i32
      %sign3A_56 = arith.extui %sign3A_55 : i1 to i32
      %sign3A_57 = arith.constant 0 : i32
      %sign3A_58 = arith.cmpi slt, %jit3A, %sign3A_57 : i32
      %sign3A_59 = arith.extui %sign3A_58 : i1 to i32
      %sign3A_60 = arith.subi %sign3A_56, %sign3A_59 : i32
      %ne3A = arith.cmpi ne, %sign3A_53, %sign3A_60 : i32
      %rem3A = arith.remsi %add3A_47, %jit3A : i32
      %ne3A_61 = arith.constant 0 : i32
      %ne3A_62 = arith.cmpi ne, %rem3A, %ne3A_61 : i32
      %and3A = arith.andi %ne3A, %ne3A_62 : i1
      %sub3A_63 = arith.constant 1 : i32
      %sub3A_64 = arith.subi %div3A, %sub3A_63 : i32
      %select_n3A = arith.select %and3A, %sub3A_64, %div3A : i32
      %dma_start3A = arith.constant 0 : i32
      %dma_start3A_65 = tpu.memref_slice %arg3[%add3A_47, %dma_start3A] : memref<832x100000xf32, #tpu.memory_space<hbm>> -> memref<1x100000xf32, #tpu.memory_space<hbm>>
      %dma_start3A_66 = tpu.memref_squeeze %dma_start3A_65 : memref<1x100000xf32, #tpu.memory_space<hbm>> -> memref<100000xf32, #tpu.memory_space<hbm>>
      %dma_start3A_67 = arith.constant 0 : i32
      %dma_start3A_68 = tpu.memref_slice %arg3[%add3A_47, %dma_start3A_67] : memref<832x100000xf32, #tpu.memory_space<hbm>> -> memref<1x100000xf32, #tpu.memory_space<hbm>>
      %dma_start3A_69 = tpu.memref_squeeze %dma_start3A_68 : memref<1x100000xf32, #tpu.memory_space<hbm>> -> memref<100000xf32, #tpu.memory_space<hbm>>
      tpu.enqueue_dma source(%dma_start3A_69 : memref<100000xf32, #tpu.memory_space<hbm>>) target(%arg5 : memref<100000xf32, #tpu.memory_space<vmem>>) target_semaphore(%arg8 : memref<!tpu.dma_semaphore, #tpu.memory_space<semaphore_mem>>)
      %ne3A_70 = arith.cmpi ne, %select_n3A, %scan3A_44 : i32
      %convert_element_type3A = arith.extui %ne3A_70 : i1 to i32
      %cond3A = arith.constant 0 : i32
      %cond3A_71 = arith.cmpi ne, %convert_element_type3A, %cond3A : i32
      scf.if %cond3A_71 {
        "tpu.region"() ({
          %run_scoped3A = tpu.sem_alloc : memref<!tpu.dma_semaphore, #tpu.memory_space<semaphore_mem>>
          %dma_start3A_188 = arith.constant 0 : i32
          %dma_start3A_189 = tpu.memref_slice %arg2[%select_n3A, %dma_start3A_188] : memref<26x16384xi32, #tpu.memory_space<hbm>> -> memref<1x16384xi32, #tpu.memory_space<hbm>>
          %dma_start3A_190 = tpu.memref_squeeze %dma_start3A_189 : memref<1x16384xi32, #tpu.memory_space<hbm>> -> memref<16384xi32, #tpu.memory_space<hbm>>
          %dma_start3A_191 = arith.constant 0 : i32
          %dma_start3A_192 = tpu.memref_slice %arg2[%select_n3A, %dma_start3A_191] : memref<26x16384xi32, #tpu.memory_space<hbm>> -> memref<1x16384xi32, #tpu.memory_space<hbm>>
          %dma_start3A_193 = tpu.memref_squeeze %dma_start3A_192 : memref<1x16384xi32, #tpu.memory_space<hbm>> -> memref<16384xi32, #tpu.memory_space<hbm>>
          tpu.enqueue_dma source(%dma_start3A_193 : memref<16384xi32, #tpu.memory_space<hbm>>) target(%arg6 : memref<16384xi32, #tpu.memory_space<vmem>>) target_semaphore(%run_scoped3A : memref<!tpu.dma_semaphore, #tpu.memory_space<semaphore_mem>>)
          %dma_wait3A_194 = arith.constant 0 : i32
          %dma_wait3A_195 = tpu.memref_slice %arg2[%select_n3A, %dma_wait3A_194] : memref<26x16384xi32, #tpu.memory_space<hbm>> -> memref<1x16384xi32, #tpu.memory_space<hbm>>
          %dma_wait3A_196 = tpu.memref_squeeze %dma_wait3A_195 : memref<1x16384xi32, #tpu.memory_space<hbm>> -> memref<16384xi32, #tpu.memory_space<hbm>>
          %dma_wait3A_197 = arith.constant 0 : i32
          %dma_wait3A_198 = tpu.memref_slice %arg2[%select_n3A, %dma_wait3A_197] : memref<26x16384xi32, #tpu.memory_space<hbm>> -> memref<1x16384xi32, #tpu.memory_space<hbm>>
          %dma_wait3A_199 = tpu.memref_squeeze %dma_wait3A_198 : memref<1x16384xi32, #tpu.memory_space<hbm>> -> memref<16384xi32, #tpu.memory_space<hbm>>
          tpu.wait_dma2 semaphore(%run_scoped3A : memref<!tpu.dma_semaphore, #tpu.memory_space<semaphore_mem>>) src(%dma_wait3A_199 : memref<16384xi32, #tpu.memory_space<hbm>>) dst(%arg6 : memref<16384xi32, #tpu.memory_space<vmem>>)
          tpu.yield
        }) : () -> ()
      } else {
      }
      %dma_wait3A_72 = arith.constant 0 : i32
      %dma_wait3A_73 = tpu.memref_slice %arg3[%add3A_47, %dma_wait3A_72] : memref<832x100000xf32, #tpu.memory_space<hbm>> -> memref<1x100000xf32, #tpu.memory_space<hbm>>
      %dma_wait3A_74 = tpu.memref_squeeze %dma_wait3A_73 : memref<1x100000xf32, #tpu.memory_space<hbm>> -> memref<100000xf32, #tpu.memory_space<hbm>>
      %dma_wait3A_75 = arith.constant 0 : i32
      %dma_wait3A_76 = tpu.memref_slice %arg3[%add3A_47, %dma_wait3A_75] : memref<832x100000xf32, #tpu.memory_space<hbm>> -> memref<1x100000xf32, #tpu.memory_space<hbm>>
      %dma_wait3A_77 = tpu.memref_squeeze %dma_wait3A_76 : memref<1x100000xf32, #tpu.memory_space<hbm>> -> memref<100000xf32, #tpu.memory_space<hbm>>
      tpu.wait_dma2 semaphore(%arg8 : memref<!tpu.dma_semaphore, #tpu.memory_space<semaphore_mem>>) src(%dma_wait3A_77 : memref<100000xf32, #tpu.memory_space<hbm>>) dst(%arg5 : memref<100000xf32, #tpu.memory_space<vmem>>)
      %mul3A_78 = arith.constant 4 : i32
      %mul3A_79 = arith.muli %scan3A_43, %mul3A_78 : i32
      %add3A_80 = arith.constant 0 : i32
      %add3A_81 = arith.addi %mul3A_79, %add3A_80 : i32
      %ge3A = arith.constant 2 : i32
      %ge3A_82 = arith.cmpi sge, %add3A_81, %ge3A : i32
      %convert_element_type3A_83 = arith.extui %ge3A_82 : i1 to i32
      %cond3A_84 = arith.constant 0 : i32
      %cond3A_85 = arith.cmpi ne, %convert_element_type3A_83, %cond3A_84 : i32
      scf.if %cond3A_85 {
        %dma_wait3A_188 = arith.constant 0 : i32
        %dma_wait3A_189 = arith.constant 0 : i32
        %dma_wait3A_190 = arith.constant 0 : i32
        %dma_wait3A_191 = tpu.memref_slice %arg7[%dma_wait3A_188, %dma_wait3A_190] : memref<2x4096xf32, #tpu.memory_space<vmem>> -> memref<1x4096xf32, #tpu.memory_space<vmem>>
        %dma_wait3A_192 = tpu.memref_squeeze %dma_wait3A_191 : memref<1x4096xf32, #tpu.memory_space<vmem>> -> memref<4096xf32, #tpu.memory_space<vmem>>
        %dma_wait3A_193 = arith.constant 0 : i32
        %dma_wait3A_194 = tpu.memref_slice %arg4[%add3A_47, %dma_wait3A_193] : memref<832x16384xf32, #tpu.memory_space<hbm>> -> memref<1x4096xf32, #tpu.memory_space<hbm>>
        %dma_wait3A_195 = tpu.memref_squeeze %dma_wait3A_194 : memref<1x4096xf32, #tpu.memory_space<hbm>> -> memref<4096xf32, #tpu.memory_space<hbm>>
        %dma_wait3A_196 = tpu.memref_slice %arg9[%dma_wait3A_189] : memref<2x!tpu.dma_semaphore, #tpu.memory_space<semaphore_mem>> -> memref<1x!tpu.dma_semaphore, #tpu.memory_space<semaphore_mem>>
        %dma_wait3A_197 = tpu.memref_squeeze %dma_wait3A_196 : memref<1x!tpu.dma_semaphore, #tpu.memory_space<semaphore_mem>> -> memref<!tpu.dma_semaphore, #tpu.memory_space<semaphore_mem>>
        %dma_wait3A_198 = arith.constant 0 : i32
        %dma_wait3A_199 = tpu.memref_slice %arg4[%add3A_47, %dma_wait3A_198] : memref<832x16384xf32, #tpu.memory_space<hbm>> -> memref<1x4096xf32, #tpu.memory_space<hbm>>
        %dma_wait3A_200 = tpu.memref_squeeze %dma_wait3A_199 : memref<1x4096xf32, #tpu.memory_space<hbm>> -> memref<4096xf32, #tpu.memory_space<hbm>>
        %dma_wait3A_201 = arith.constant 0 : i32
        %dma_wait3A_202 = tpu.memref_slice %arg7[%dma_wait3A_188, %dma_wait3A_201] : memref<2x4096xf32, #tpu.memory_space<vmem>> -> memref<1x4096xf32, #tpu.memory_space<vmem>>
        %dma_wait3A_203 = tpu.memref_squeeze %dma_wait3A_202 : memref<1x4096xf32, #tpu.memory_space<vmem>> -> memref<4096xf32, #tpu.memory_space<vmem>>
        tpu.wait_dma2 semaphore(%dma_wait3A_197 : memref<!tpu.dma_semaphore, #tpu.memory_space<semaphore_mem>>) src(%dma_wait3A_203 : memref<4096xf32, #tpu.memory_space<vmem>>) dst(%dma_wait3A_200 : memref<4096xf32, #tpu.memory_space<hbm>>)
      } else {
      }
      %parallel_loop3A = arith.constant 0 : i32
      %parallel_loop3A_86 = arith.constant 4096 : i32
      %parallel_loop3A_87 = arith.constant 16 : i32
      scf.for %parallel_loop3A_188 = %parallel_loop3A to %parallel_loop3A_86 step %parallel_loop3A_87  : i32 {
        %parallel_loop3A_189 = arith.constant 0 : i32
        %parallel_loop3A_190 = arith.addi %parallel_loop3A_189, %parallel_loop3A_188 : i32
        %parallel_loop3A_191 = arith.index_cast %parallel_loop3A_190 : i32 to index
        %parallel_loop3A_192 = tpu.vector_load %arg6[%parallel_loop3A_191] {strides = array<i32>} : memref<16384xi32, #tpu.memory_space<vmem>>, vector<16xi32>,
        %parallel_loop3A_193 = tpu.vector_load_idx %arg5[%parallel_loop3A_192] : memref<100000xf32, #tpu.memory_space<vmem>>[vector<16xi32>], vector<16xf32>,
        %parallel_loop3A_194 = arith.constant 0 : i32
        %parallel_loop3A_195 = arith.index_cast %parallel_loop3A_194 : i32 to index
        %parallel_loop3A_196 = arith.index_cast %parallel_loop3A_188 : i32 to index
        %parallel_loop3A_197 = tpu.vector_load %arg7[%parallel_loop3A_195, %parallel_loop3A_196] {strides = array<i32>} : memref<2x4096xf32, #tpu.memory_space<vmem>>, vector<16xf32>,
        tpu.vector_store %arg7[%parallel_loop3A_195, %parallel_loop3A_196], %parallel_loop3A_193 {strides = array<i32>} : memref<2x4096xf32, #tpu.memory_space<vmem>>, vector<16xf32>,
      } {sc.loop_unroll_factor = 8 : i64, sc.parallel_access}
      %dma_start3A_88 = arith.constant 0 : i32
      %dma_start3A_89 = arith.constant 0 : i32
      %dma_start3A_90 = arith.constant 0 : i32
      %dma_start3A_91 = tpu.memref_slice %arg7[%dma_start3A_88, %dma_start3A_90] : memref<2x4096xf32, #tpu.memory_space<vmem>> -> memref<1x4096xf32, #tpu.memory_space<vmem>>
      %dma_start3A_92 = tpu.memref_squeeze %dma_start3A_91 : memref<1x4096xf32, #tpu.memory_space<vmem>> -> memref<4096xf32, #tpu.memory_space<vmem>>
      %dma_start3A_93 = arith.constant 0 : i32
      %dma_start3A_94 = tpu.memref_slice %arg4[%add3A_47, %dma_start3A_93] : memref<832x16384xf32, #tpu.memory_space<hbm>> -> memref<1x4096xf32, #tpu.memory_space<hbm>>
      %dma_start3A_95 = tpu.memref_squeeze %dma_start3A_94 : memref<1x4096xf32, #tpu.memory_space<hbm>> -> memref<4096xf32, #tpu.memory_space<hbm>>
      %dma_start3A_96 = tpu.memref_slice %arg9[%dma_start3A_89] : memref<2x!tpu.dma_semaphore, #tpu.memory_space<semaphore_mem>> -> memref<1x!tpu.dma_semaphore, #tpu.memory_space<semaphore_mem>>
      %dma_start3A_97 = tpu.memref_squeeze %dma_start3A_96 : memref<1x!tpu.dma_semaphore, #tpu.memory_space<semaphore_mem>> -> memref<!tpu.dma_semaphore, #tpu.memory_space<semaphore_mem>>
      %dma_start3A_98 = arith.constant 0 : i32
      %dma_start3A_99 = tpu.memref_slice %arg4[%add3A_47, %dma_start3A_98] : memref<832x16384xf32, #tpu.memory_space<hbm>> -> memref<1x4096xf32, #tpu.memory_space<hbm>>
      %dma_start3A_100 = tpu.memref_squeeze %dma_start3A_99 : memref<1x4096xf32, #tpu.memory_space<hbm>> -> memref<4096xf32, #tpu.memory_space<hbm>>
      %dma_start3A_101 = arith.constant 0 : i32
      %dma_start3A_102 = tpu.memref_slice %arg7[%dma_start3A_88, %dma_start3A_101] : memref<2x4096xf32, #tpu.memory_space<vmem>> -> memref<1x4096xf32, #tpu.memory_space<vmem>>
      %dma_start3A_103 = tpu.memref_squeeze %dma_start3A_102 : memref<1x4096xf32, #tpu.memory_space<vmem>> -> memref<4096xf32, #tpu.memory_space<vmem>>
      tpu.enqueue_dma source(%dma_start3A_103 : memref<4096xf32, #tpu.memory_space<vmem>>) target(%dma_start3A_100 : memref<4096xf32, #tpu.memory_space<hbm>>) target_semaphore(%dma_start3A_97 : memref<!tpu.dma_semaphore, #tpu.memory_space<semaphore_mem>>)
      %mul3A_104 = arith.constant 4 : i32
      %mul3A_105 = arith.muli %scan3A_43, %mul3A_104 : i32
      %add3A_106 = arith.constant 1 : i32
      %add3A_107 = arith.addi %mul3A_105, %add3A_106 : i32
      %ge3A_108 = arith.constant 2 : i32
      %ge3A_109 = arith.cmpi sge, %add3A_107, %ge3A_108 : i32
      %convert_element_type3A_110 = arith.extui %ge3A_109 : i1 to i32
      %cond3A_111 = arith.constant 0 : i32
      %cond3A_112 = arith.cmpi ne, %convert_element_type3A_110, %cond3A_111 : i32
      scf.if %cond3A_112 {
        %dma_wait3A_188 = arith.constant 1 : i32
        %dma_wait3A_189 = arith.constant 1 : i32
        %dma_wait3A_190 = arith.constant 0 : i32
        %dma_wait3A_191 = tpu.memref_slice %arg7[%dma_wait3A_188, %dma_wait3A_190] : memref<2x4096xf32, #tpu.memory_space<vmem>> -> memref<1x4096xf32, #tpu.memory_space<vmem>>
        %dma_wait3A_192 = tpu.memref_squeeze %dma_wait3A_191 : memref<1x4096xf32, #tpu.memory_space<vmem>> -> memref<4096xf32, #tpu.memory_space<vmem>>
        %dma_wait3A_193 = arith.constant 4096 : i32
        %dma_wait3A_194 = tpu.memref_slice %arg4[%add3A_47, %dma_wait3A_193] : memref<832x16384xf32, #tpu.memory_space<hbm>> -> memref<1x4096xf32, #tpu.memory_space<hbm>>
        %dma_wait3A_195 = tpu.memref_squeeze %dma_wait3A_194 : memref<1x4096xf32, #tpu.memory_space<hbm>> -> memref<4096xf32, #tpu.memory_space<hbm>>
        %dma_wait3A_196 = tpu.memref_slice %arg9[%dma_wait3A_189] : memref<2x!tpu.dma_semaphore, #tpu.memory_space<semaphore_mem>> -> memref<1x!tpu.dma_semaphore, #tpu.memory_space<semaphore_mem>>
        %dma_wait3A_197 = tpu.memref_squeeze %dma_wait3A_196 : memref<1x!tpu.dma_semaphore, #tpu.memory_space<semaphore_mem>> -> memref<!tpu.dma_semaphore, #tpu.memory_space<semaphore_mem>>
        %dma_wait3A_198 = arith.constant 4096 : i32
        %dma_wait3A_199 = tpu.memref_slice %arg4[%add3A_47, %dma_wait3A_198] : memref<832x16384xf32, #tpu.memory_space<hbm>> -> memref<1x4096xf32, #tpu.memory_space<hbm>>
        %dma_wait3A_200 = tpu.memref_squeeze %dma_wait3A_199 : memref<1x4096xf32, #tpu.memory_space<hbm>> -> memref<4096xf32, #tpu.memory_space<hbm>>
        %dma_wait3A_201 = arith.constant 0 : i32
        %dma_wait3A_202 = tpu.memref_slice %arg7[%dma_wait3A_188, %dma_wait3A_201] : memref<2x4096xf32, #tpu.memory_space<vmem>> -> memref<1x4096xf32, #tpu.memory_space<vmem>>
        %dma_wait3A_203 = tpu.memref_squeeze %dma_wait3A_202 : memref<1x4096xf32, #tpu.memory_space<vmem>> -> memref<4096xf32, #tpu.memory_space<vmem>>
        tpu.wait_dma2 semaphore(%dma_wait3A_197 : memref<!tpu.dma_semaphore, #tpu.memory_space<semaphore_mem>>) src(%dma_wait3A_203 : memref<4096xf32, #tpu.memory_space<vmem>>) dst(%dma_wait3A_200 : memref<4096xf32, #tpu.memory_space<hbm>>)
      } else {
      }
      %parallel_loop3A_113 = arith.constant 0 : i32
      %parallel_loop3A_114 = arith.constant 4096 : i32
      %parallel_loop3A_115 = arith.constant 16 : i32
      scf.for %parallel_loop3A_188 = %parallel_loop3A_113 to %parallel_loop3A_114 step %parallel_loop3A_115  : i32 {
        %parallel_loop3A_189 = arith.constant 4096 : i32
        %parallel_loop3A_190 = arith.addi %parallel_loop3A_189, %parallel_loop3A_188 : i32
        %parallel_loop3A_191 = arith.index_cast %parallel_loop3A_190 : i32 to index
        %parallel_loop3A_192 = tpu.vector_load %arg6[%parallel_loop3A_191] {strides = array<i32>} : memref<16384xi32, #tpu.memory_space<vmem>>, vector<16xi32>,
        %parallel_loop3A_193 = tpu.vector_load_idx %arg5[%parallel_loop3A_192] : memref<100000xf32, #tpu.memory_space<vmem>>[vector<16xi32>], vector<16xf32>,
        %parallel_loop3A_194 = arith.constant 1 : i32
        %parallel_loop3A_195 = arith.index_cast %parallel_loop3A_194 : i32 to index
        %parallel_loop3A_196 = arith.index_cast %parallel_loop3A_188 : i32 to index
        %parallel_loop3A_197 = tpu.vector_load %arg7[%parallel_loop3A_195, %parallel_loop3A_196] {strides = array<i32>} : memref<2x4096xf32, #tpu.memory_space<vmem>>, vector<16xf32>,
        tpu.vector_store %arg7[%parallel_loop3A_195, %parallel_loop3A_196], %parallel_loop3A_193 {strides = array<i32>} : memref<2x4096xf32, #tpu.memory_space<vmem>>, vector<16xf32>,
      } {sc.loop_unroll_factor = 8 : i64, sc.parallel_access}
      %dma_start3A_116 = arith.constant 1 : i32
      %dma_start3A_117 = arith.constant 1 : i32
      %dma_start3A_118 = arith.constant 0 : i32
      %dma_start3A_119 = tpu.memref_slice %arg7[%dma_start3A_116, %dma_start3A_118] : memref<2x4096xf32, #tpu.memory_space<vmem>> -> memref<1x4096xf32, #tpu.memory_space<vmem>>
      %dma_start3A_120 = tpu.memref_squeeze %dma_start3A_119 : memref<1x4096xf32, #tpu.memory_space<vmem>> -> memref<4096xf32, #tpu.memory_space<vmem>>
      %dma_start3A_121 = arith.constant 4096 : i32
      %dma_start3A_122 = tpu.memref_slice %arg4[%add3A_47, %dma_start3A_121] : memref<832x16384xf32, #tpu.memory_space<hbm>> -> memref<1x4096xf32, #tpu.memory_space<hbm>>
      %dma_start3A_123 = tpu.memref_squeeze %dma_start3A_122 : memref<1x4096xf32, #tpu.memory_space<hbm>> -> memref<4096xf32, #tpu.memory_space<hbm>>
      %dma_start3A_124 = tpu.memref_slice %arg9[%dma_start3A_117] : memref<2x!tpu.dma_semaphore, #tpu.memory_space<semaphore_mem>> -> memref<1x!tpu.dma_semaphore, #tpu.memory_space<semaphore_mem>>
      %dma_start3A_125 = tpu.memref_squeeze %dma_start3A_124 : memref<1x!tpu.dma_semaphore, #tpu.memory_space<semaphore_mem>> -> memref<!tpu.dma_semaphore, #tpu.memory_space<semaphore_mem>>
      %dma_start3A_126 = arith.constant 4096 : i32
      %dma_start3A_127 = tpu.memref_slice %arg4[%add3A_47, %dma_start3A_126] : memref<832x16384xf32, #tpu.memory_space<hbm>> -> memref<1x4096xf32, #tpu.memory_space<hbm>>
      %dma_start3A_128 = tpu.memref_squeeze %dma_start3A_127 : memref<1x4096xf32, #tpu.memory_space<hbm>> -> memref<4096xf32, #tpu.memory_space<hbm>>
      %dma_start3A_129 = arith.constant 0 : i32
      %dma_start3A_130 = tpu.memref_slice %arg7[%dma_start3A_116, %dma_start3A_129] : memref<2x4096xf32, #tpu.memory_space<vmem>> -> memref<1x4096xf32, #tpu.memory_space<vmem>>
      %dma_start3A_131 = tpu.memref_squeeze %dma_start3A_130 : memref<1x4096xf32, #tpu.memory_space<vmem>> -> memref<4096xf32, #tpu.memory_space<vmem>>
      tpu.enqueue_dma source(%dma_start3A_131 : memref<4096xf32, #tpu.memory_space<vmem>>) target(%dma_start3A_128 : memref<4096xf32, #tpu.memory_space<hbm>>) target_semaphore(%dma_start3A_125 : memref<!tpu.dma_semaphore, #tpu.memory_space<semaphore_mem>>)
      %mul3A_132 = arith.constant 4 : i32
      %mul3A_133 = arith.muli %scan3A_43, %mul3A_132 : i32
      %add3A_134 = arith.constant 2 : i32
      %add3A_135 = arith.addi %mul3A_133, %add3A_134 : i32
      %ge3A_136 = arith.constant 2 : i32
      %ge3A_137 = arith.cmpi sge, %add3A_135, %ge3A_136 : i32
      %convert_element_type3A_138 = arith.extui %ge3A_137 : i1 to i32
      %cond3A_139 = arith.constant 0 : i32
      %cond3A_140 = arith.cmpi ne, %convert_element_type3A_138, %cond3A_139 : i32
      scf.if %cond3A_140 {
        %dma_wait3A_188 = arith.constant 0 : i32
        %dma_wait3A_189 = arith.constant 0 : i32
        %dma_wait3A_190 = arith.constant 0 : i32
        %dma_wait3A_191 = tpu.memref_slice %arg7[%dma_wait3A_188, %dma_wait3A_190] : memref<2x4096xf32, #tpu.memory_space<vmem>> -> memref<1x4096xf32, #tpu.memory_space<vmem>>
        %dma_wait3A_192 = tpu.memref_squeeze %dma_wait3A_191 : memref<1x4096xf32, #tpu.memory_space<vmem>> -> memref<4096xf32, #tpu.memory_space<vmem>>
        %dma_wait3A_193 = arith.constant 8192 : i32
        %dma_wait3A_194 = tpu.memref_slice %arg4[%add3A_47, %dma_wait3A_193] : memref<832x16384xf32, #tpu.memory_space<hbm>> -> memref<1x4096xf32, #tpu.memory_space<hbm>>
        %dma_wait3A_195 = tpu.memref_squeeze %dma_wait3A_194 : memref<1x4096xf32, #tpu.memory_space<hbm>> -> memref<4096xf32, #tpu.memory_space<hbm>>
        %dma_wait3A_196 = tpu.memref_slice %arg9[%dma_wait3A_189] : memref<2x!tpu.dma_semaphore, #tpu.memory_space<semaphore_mem>> -> memref<1x!tpu.dma_semaphore, #tpu.memory_space<semaphore_mem>>
        %dma_wait3A_197 = tpu.memref_squeeze %dma_wait3A_196 : memref<1x!tpu.dma_semaphore, #tpu.memory_space<semaphore_mem>> -> memref<!tpu.dma_semaphore, #tpu.memory_space<semaphore_mem>>
        %dma_wait3A_198 = arith.constant 8192 : i32
        %dma_wait3A_199 = tpu.memref_slice %arg4[%add3A_47, %dma_wait3A_198] : memref<832x16384xf32, #tpu.memory_space<hbm>> -> memref<1x4096xf32, #tpu.memory_space<hbm>>
        %dma_wait3A_200 = tpu.memref_squeeze %dma_wait3A_199 : memref<1x4096xf32, #tpu.memory_space<hbm>> -> memref<4096xf32, #tpu.memory_space<hbm>>
        %dma_wait3A_201 = arith.constant 0 : i32
        %dma_wait3A_202 = tpu.memref_slice %arg7[%dma_wait3A_188, %dma_wait3A_201] : memref<2x4096xf32, #tpu.memory_space<vmem>> -> memref<1x4096xf32, #tpu.memory_space<vmem>>
        %dma_wait3A_203 = tpu.memref_squeeze %dma_wait3A_202 : memref<1x4096xf32, #tpu.memory_space<vmem>> -> memref<4096xf32, #tpu.memory_space<vmem>>
        tpu.wait_dma2 semaphore(%dma_wait3A_197 : memref<!tpu.dma_semaphore, #tpu.memory_space<semaphore_mem>>) src(%dma_wait3A_203 : memref<4096xf32, #tpu.memory_space<vmem>>) dst(%dma_wait3A_200 : memref<4096xf32, #tpu.memory_space<hbm>>)
      } else {
      }
      %parallel_loop3A_141 = arith.constant 0 : i32
      %parallel_loop3A_142 = arith.constant 4096 : i32
      %parallel_loop3A_143 = arith.constant 16 : i32
      scf.for %parallel_loop3A_188 = %parallel_loop3A_141 to %parallel_loop3A_142 step %parallel_loop3A_143  : i32 {
        %parallel_loop3A_189 = arith.constant 8192 : i32
        %parallel_loop3A_190 = arith.addi %parallel_loop3A_189, %parallel_loop3A_188 : i32
        %parallel_loop3A_191 = arith.index_cast %parallel_loop3A_190 : i32 to index
        %parallel_loop3A_192 = tpu.vector_load %arg6[%parallel_loop3A_191] {strides = array<i32>} : memref<16384xi32, #tpu.memory_space<vmem>>, vector<16xi32>,
        %parallel_loop3A_193 = tpu.vector_load_idx %arg5[%parallel_loop3A_192] : memref<100000xf32, #tpu.memory_space<vmem>>[vector<16xi32>], vector<16xf32>,
        %parallel_loop3A_194 = arith.constant 0 : i32
        %parallel_loop3A_195 = arith.index_cast %parallel_loop3A_194 : i32 to index
        %parallel_loop3A_196 = arith.index_cast %parallel_loop3A_188 : i32 to index
        %parallel_loop3A_197 = tpu.vector_load %arg7[%parallel_loop3A_195, %parallel_loop3A_196] {strides = array<i32>} : memref<2x4096xf32, #tpu.memory_space<vmem>>, vector<16xf32>,
        tpu.vector_store %arg7[%parallel_loop3A_195, %parallel_loop3A_196], %parallel_loop3A_193 {strides = array<i32>} : memref<2x4096xf32, #tpu.memory_space<vmem>>, vector<16xf32>,
      } {sc.loop_unroll_factor = 8 : i64, sc.parallel_access}
      %dma_start3A_144 = arith.constant 0 : i32
      %dma_start3A_145 = arith.constant 0 : i32
      %dma_start3A_146 = arith.constant 0 : i32
      %dma_start3A_147 = tpu.memref_slice %arg7[%dma_start3A_144, %dma_start3A_146] : memref<2x4096xf32, #tpu.memory_space<vmem>> -> memref<1x4096xf32, #tpu.memory_space<vmem>>
      %dma_start3A_148 = tpu.memref_squeeze %dma_start3A_147 : memref<1x4096xf32, #tpu.memory_space<vmem>> -> memref<4096xf32, #tpu.memory_space<vmem>>
      %dma_start3A_149 = arith.constant 8192 : i32
      %dma_start3A_150 = tpu.memref_slice %arg4[%add3A_47, %dma_start3A_149] : memref<832x16384xf32, #tpu.memory_space<hbm>> -> memref<1x4096xf32, #tpu.memory_space<hbm>>
      %dma_start3A_151 = tpu.memref_squeeze %dma_start3A_150 : memref<1x4096xf32, #tpu.memory_space<hbm>> -> memref<4096xf32, #tpu.memory_space<hbm>>
      %dma_start3A_152 = tpu.memref_slice %arg9[%dma_start3A_145] : memref<2x!tpu.dma_semaphore, #tpu.memory_space<semaphore_mem>> -> memref<1x!tpu.dma_semaphore, #tpu.memory_space<semaphore_mem>>
      %dma_start3A_153 = tpu.memref_squeeze %dma_start3A_152 : memref<1x!tpu.dma_semaphore, #tpu.memory_space<semaphore_mem>> -> memref<!tpu.dma_semaphore, #tpu.memory_space<semaphore_mem>>
      %dma_start3A_154 = arith.constant 8192 : i32
      %dma_start3A_155 = tpu.memref_slice %arg4[%add3A_47, %dma_start3A_154] : memref<832x16384xf32, #tpu.memory_space<hbm>> -> memref<1x4096xf32, #tpu.memory_space<hbm>>
      %dma_start3A_156 = tpu.memref_squeeze %dma_start3A_155 : memref<1x4096xf32, #tpu.memory_space<hbm>> -> memref<4096xf32, #tpu.memory_space<hbm>>
      %dma_start3A_157 = arith.constant 0 : i32
      %dma_start3A_158 = tpu.memref_slice %arg7[%dma_start3A_144, %dma_start3A_157] : memref<2x4096xf32, #tpu.memory_space<vmem>> -> memref<1x4096xf32, #tpu.memory_space<vmem>>
      %dma_start3A_159 = tpu.memref_squeeze %dma_start3A_158 : memref<1x4096xf32, #tpu.memory_space<vmem>> -> memref<4096xf32, #tpu.memory_space<vmem>>
      tpu.enqueue_dma source(%dma_start3A_159 : memref<4096xf32, #tpu.memory_space<vmem>>) target(%dma_start3A_156 : memref<4096xf32, #tpu.memory_space<hbm>>) target_semaphore(%dma_start3A_153 : memref<!tpu.dma_semaphore, #tpu.memory_space<semaphore_mem>>)
      %mul3A_160 = arith.constant 4 : i32
      %mul3A_161 = arith.muli %scan3A_43, %mul3A_160 : i32
      %add3A_162 = arith.constant 3 : i32
      %add3A_163 = arith.addi %mul3A_161, %add3A_162 : i32
      %ge3A_164 = arith.constant 2 : i32
      %ge3A_165 = arith.cmpi sge, %add3A_163, %ge3A_164 : i32
      %convert_element_type3A_166 = arith.extui %ge3A_165 : i1 to i32
      %cond3A_167 = arith.constant 0 : i32
      %cond3A_168 = arith.cmpi ne, %convert_element_type3A_166, %cond3A_167 : i32
      scf.if %cond3A_168 {
        %dma_wait3A_188 = arith.constant 1 : i32
        %dma_wait3A_189 = arith.constant 1 : i32
        %dma_wait3A_190 = arith.constant 0 : i32
        %dma_wait3A_191 = tpu.memref_slice %arg7[%dma_wait3A_188, %dma_wait3A_190] : memref<2x4096xf32, #tpu.memory_space<vmem>> -> memref<1x4096xf32, #tpu.memory_space<vmem>>
        %dma_wait3A_192 = tpu.memref_squeeze %dma_wait3A_191 : memref<1x4096xf32, #tpu.memory_space<vmem>> -> memref<4096xf32, #tpu.memory_space<vmem>>
        %dma_wait3A_193 = arith.constant 12288 : i32
        %dma_wait3A_194 = tpu.memref_slice %arg4[%add3A_47, %dma_wait3A_193] : memref<832x16384xf32, #tpu.memory_space<hbm>> -> memref<1x4096xf32, #tpu.memory_space<hbm>>
        %dma_wait3A_195 = tpu.memref_squeeze %dma_wait3A_194 : memref<1x4096xf32, #tpu.memory_space<hbm>> -> memref<4096xf32, #tpu.memory_space<hbm>>
        %dma_wait3A_196 = tpu.memref_slice %arg9[%dma_wait3A_189] : memref<2x!tpu.dma_semaphore, #tpu.memory_space<semaphore_mem>> -> memref<1x!tpu.dma_semaphore, #tpu.memory_space<semaphore_mem>>
        %dma_wait3A_197 = tpu.memref_squeeze %dma_wait3A_196 : memref<1x!tpu.dma_semaphore, #tpu.memory_space<semaphore_mem>> -> memref<!tpu.dma_semaphore, #tpu.memory_space<semaphore_mem>>
        %dma_wait3A_198 = arith.constant 12288 : i32
        %dma_wait3A_199 = tpu.memref_slice %arg4[%add3A_47, %dma_wait3A_198] : memref<832x16384xf32, #tpu.memory_space<hbm>> -> memref<1x4096xf32, #tpu.memory_space<hbm>>
        %dma_wait3A_200 = tpu.memref_squeeze %dma_wait3A_199 : memref<1x4096xf32, #tpu.memory_space<hbm>> -> memref<4096xf32, #tpu.memory_space<hbm>>
        %dma_wait3A_201 = arith.constant 0 : i32
        %dma_wait3A_202 = tpu.memref_slice %arg7[%dma_wait3A_188, %dma_wait3A_201] : memref<2x4096xf32, #tpu.memory_space<vmem>> -> memref<1x4096xf32, #tpu.memory_space<vmem>>
        %dma_wait3A_203 = tpu.memref_squeeze %dma_wait3A_202 : memref<1x4096xf32, #tpu.memory_space<vmem>> -> memref<4096xf32, #tpu.memory_space<vmem>>
        tpu.wait_dma2 semaphore(%dma_wait3A_197 : memref<!tpu.dma_semaphore, #tpu.memory_space<semaphore_mem>>) src(%dma_wait3A_203 : memref<4096xf32, #tpu.memory_space<vmem>>) dst(%dma_wait3A_200 : memref<4096xf32, #tpu.memory_space<hbm>>)
      } else {
      }
      %parallel_loop3A_169 = arith.constant 0 : i32
      %parallel_loop3A_170 = arith.constant 4096 : i32
      %parallel_loop3A_171 = arith.constant 16 : i32
      scf.for %parallel_loop3A_188 = %parallel_loop3A_169 to %parallel_loop3A_170 step %parallel_loop3A_171  : i32 {
        %parallel_loop3A_189 = arith.constant 12288 : i32
        %parallel_loop3A_190 = arith.addi %parallel_loop3A_189, %parallel_loop3A_188 : i32
        %parallel_loop3A_191 = arith.index_cast %parallel_loop3A_190 : i32 to index
        %parallel_loop3A_192 = tpu.vector_load %arg6[%parallel_loop3A_191] {strides = array<i32>} : memref<16384xi32, #tpu.memory_space<vmem>>, vector<16xi32>,
        %parallel_loop3A_193 = tpu.vector_load_idx %arg5[%parallel_loop3A_192] : memref<100000xf32, #tpu.memory_space<vmem>>[vector<16xi32>], vector<16xf32>,
        %parallel_loop3A_194 = arith.constant 1 : i32
        %parallel_loop3A_195 = arith.index_cast %parallel_loop3A_194 : i32 to index
        %parallel_loop3A_196 = arith.index_cast %parallel_loop3A_188 : i32 to index
        %parallel_loop3A_197 = tpu.vector_load %arg7[%parallel_loop3A_195, %parallel_loop3A_196] {strides = array<i32>} : memref<2x4096xf32, #tpu.memory_space<vmem>>, vector<16xf32>,
        tpu.vector_store %arg7[%parallel_loop3A_195, %parallel_loop3A_196], %parallel_loop3A_193 {strides = array<i32>} : memref<2x4096xf32, #tpu.memory_space<vmem>>, vector<16xf32>,
      } {sc.loop_unroll_factor = 8 : i64, sc.parallel_access}
      %dma_start3A_172 = arith.constant 1 : i32
      %dma_start3A_173 = arith.constant 1 : i32
      %dma_start3A_174 = arith.constant 0 : i32
      %dma_start3A_175 = tpu.memref_slice %arg7[%dma_start3A_172, %dma_start3A_174] : memref<2x4096xf32, #tpu.memory_space<vmem>> -> memref<1x4096xf32, #tpu.memory_space<vmem>>
      %dma_start3A_176 = tpu.memref_squeeze %dma_start3A_175 : memref<1x4096xf32, #tpu.memory_space<vmem>> -> memref<4096xf32, #tpu.memory_space<vmem>>
      %dma_start3A_177 = arith.constant 12288 : i32
      %dma_start3A_178 = tpu.memref_slice %arg4[%add3A_47, %dma_start3A_177] : memref<832x16384xf32, #tpu.memory_space<hbm>> -> memref<1x4096xf32, #tpu.memory_space<hbm>>
      %dma_start3A_179 = tpu.memref_squeeze %dma_start3A_178 : memref<1x4096xf32, #tpu.memory_space<hbm>> -> memref<4096xf32, #tpu.memory_space<hbm>>
      %dma_start3A_180 = tpu.memref_slice %arg9[%dma_start3A_173] : memref<2x!tpu.dma_semaphore, #tpu.memory_space<semaphore_mem>> -> memref<1x!tpu.dma_semaphore, #tpu.memory_space<semaphore_mem>>
      %dma_start3A_181 = tpu.memref_squeeze %dma_start3A_180 : memref<1x!tpu.dma_semaphore, #tpu.memory_space<semaphore_mem>> -> memref<!tpu.dma_semaphore, #tpu.memory_space<semaphore_mem>>
      %dma_start3A_182 = arith.constant 12288 : i32
      %dma_start3A_183 = tpu.memref_slice %arg4[%add3A_47, %dma_start3A_182] : memref<832x16384xf32, #tpu.memory_space<hbm>> -> memref<1x4096xf32, #tpu.memory_space<hbm>>
      %dma_start3A_184 = tpu.memref_squeeze %dma_start3A_183 : memref<1x4096xf32, #tpu.memory_space<hbm>> -> memref<4096xf32, #tpu.memory_space<hbm>>
      %dma_start3A_185 = arith.constant 0 : i32
      %dma_start3A_186 = tpu.memref_slice %arg7[%dma_start3A_172, %dma_start3A_185] : memref<2x4096xf32, #tpu.memory_space<vmem>> -> memref<1x4096xf32, #tpu.memory_space<vmem>>
      %dma_start3A_187 = tpu.memref_squeeze %dma_start3A_186 : memref<1x4096xf32, #tpu.memory_space<vmem>> -> memref<4096xf32, #tpu.memory_space<vmem>>
      tpu.enqueue_dma source(%dma_start3A_187 : memref<4096xf32, #tpu.memory_space<vmem>>) target(%dma_start3A_184 : memref<4096xf32, #tpu.memory_space<hbm>>) target_semaphore(%dma_start3A_181 : memref<!tpu.dma_semaphore, #tpu.memory_space<semaphore_mem>>)
      scf.yield %select_n3A : i32
    }
    %scan3A_6 = arith.constant 26 : i32
    %mul3A_7 = arith.constant 26 : i32
    %mul3A_8 = arith.muli %add3A, %mul3A_7 : i32
    %add3A_9 = arith.constant 26 : i32
    %add3A_10 = arith.addi %mul3A_8, %add3A_9 : i32
    %sub3A = arith.constant 1 : i32
    %sub3A_11 = arith.subi %add3A_10, %sub3A : i32
    %dma_wait3A = arith.constant 0 : i32
    %dma_wait3A_12 = arith.constant 0 : i32
    %dma_wait3A_13 = arith.constant 0 : i32
    %dma_wait3A_14 = tpu.memref_slice %arg7[%dma_wait3A, %dma_wait3A_13] : memref<2x4096xf32, #tpu.memory_space<vmem>> -> memref<1x4096xf32, #tpu.memory_space<vmem>>
    %dma_wait3A_15 = tpu.memref_squeeze %dma_wait3A_14 : memref<1x4096xf32, #tpu.memory_space<vmem>> -> memref<4096xf32, #tpu.memory_space<vmem>>
    %dma_wait3A_16 = arith.constant 8192 : i32
    %dma_wait3A_17 = tpu.memref_slice %arg4[%sub3A_11, %dma_wait3A_16] : memref<832x16384xf32, #tpu.memory_space<hbm>> -> memref<1x4096xf32, #tpu.memory_space<hbm>>
    %dma_wait3A_18 = tpu.memref_squeeze %dma_wait3A_17 : memref<1x4096xf32, #tpu.memory_space<hbm>> -> memref<4096xf32, #tpu.memory_space<hbm>>
    %dma_wait3A_19 = tpu.memref_slice %arg9[%dma_wait3A_12] : memref<2x!tpu.dma_semaphore, #tpu.memory_space<semaphore_mem>> -> memref<1x!tpu.dma_semaphore, #tpu.memory_space<semaphore_mem>>
    %dma_wait3A_20 = tpu.memref_squeeze %dma_wait3A_19 : memref<1x!tpu.dma_semaphore, #tpu.memory_space<semaphore_mem>> -> memref<!tpu.dma_semaphore, #tpu.memory_space<semaphore_mem>>
    %dma_wait3A_21 = arith.constant 8192 : i32
    %dma_wait3A_22 = tpu.memref_slice %arg4[%sub3A_11, %dma_wait3A_21] : memref<832x16384xf32, #tpu.memory_space<hbm>> -> memref<1x4096xf32, #tpu.memory_space<hbm>>
    %dma_wait3A_23 = tpu.memref_squeeze %dma_wait3A_22 : memref<1x4096xf32, #tpu.memory_space<hbm>> -> memref<4096xf32, #tpu.memory_space<hbm>>
    %dma_wait3A_24 = arith.constant 0 : i32
    %dma_wait3A_25 = tpu.memref_slice %arg7[%dma_wait3A, %dma_wait3A_24] : memref<2x4096xf32, #tpu.memory_space<vmem>> -> memref<1x4096xf32, #tpu.memory_space<vmem>>
    %dma_wait3A_26 = tpu.memref_squeeze %dma_wait3A_25 : memref<1x4096xf32, #tpu.memory_space<vmem>> -> memref<4096xf32, #tpu.memory_space<vmem>>
    tpu.wait_dma2 semaphore(%dma_wait3A_20 : memref<!tpu.dma_semaphore, #tpu.memory_space<semaphore_mem>>) src(%dma_wait3A_26 : memref<4096xf32, #tpu.memory_space<vmem>>) dst(%dma_wait3A_23 : memref<4096xf32, #tpu.memory_space<hbm>>)
    %dma_wait3A_27 = arith.constant 1 : i32
    %dma_wait3A_28 = arith.constant 1 : i32
    %dma_wait3A_29 = arith.constant 0 : i32
    %dma_wait3A_30 = tpu.memref_slice %arg7[%dma_wait3A_27, %dma_wait3A_29] : memref<2x4096xf32, #tpu.memory_space<vmem>> -> memref<1x4096xf32, #tpu.memory_space<vmem>>
    %dma_wait3A_31 = tpu.memref_squeeze %dma_wait3A_30 : memref<1x4096xf32, #tpu.memory_space<vmem>> -> memref<4096xf32, #tpu.memory_space<vmem>>
    %dma_wait3A_32 = arith.constant 12288 : i32
    %dma_wait3A_33 = tpu.memref_slice %arg4[%sub3A_11, %dma_wait3A_32] : memref<832x16384xf32, #tpu.memory_space<hbm>> -> memref<1x4096xf32, #tpu.memory_space<hbm>>
    %dma_wait3A_34 = tpu.memref_squeeze %dma_wait3A_33 : memref<1x4096xf32, #tpu.memory_space<hbm>> -> memref<4096xf32, #tpu.memory_space<hbm>>
    %dma_wait3A_35 = tpu.memref_slice %arg9[%dma_wait3A_28] : memref<2x!tpu.dma_semaphore, #tpu.memory_space<semaphore_mem>> -> memref<1x!tpu.dma_semaphore, #tpu.memory_space<semaphore_mem>>
    %dma_wait3A_36 = tpu.memref_squeeze %dma_wait3A_35 : memref<1x!tpu.dma_semaphore, #tpu.memory_space<semaphore_mem>> -> memref<!tpu.dma_semaphore, #tpu.memory_space<semaphore_mem>>
    %dma_wait3A_37 = arith.constant 12288 : i32
    %dma_wait3A_38 = tpu.memref_slice %arg4[%sub3A_11, %dma_wait3A_37] : memref<832x16384xf32, #tpu.memory_space<hbm>> -> memref<1x4096xf32, #tpu.memory_space<hbm>>
    %dma_wait3A_39 = tpu.memref_squeeze %dma_wait3A_38 : memref<1x4096xf32, #tpu.memory_space<hbm>> -> memref<4096xf32, #tpu.memory_space<hbm>>
    %dma_wait3A_40 = arith.constant 0 : i32
    %dma_wait3A_41 = tpu.memref_slice %arg7[%dma_wait3A_27, %dma_wait3A_40] : memref<2x4096xf32, #tpu.memory_space<vmem>> -> memref<1x4096xf32, #tpu.memory_space<vmem>>
    %dma_wait3A_42 = tpu.memref_squeeze %dma_wait3A_41 : memref<1x4096xf32, #tpu.memory_space<vmem>> -> memref<4096xf32, #tpu.memory_space<vmem>>
    tpu.wait_dma2 semaphore(%dma_wait3A_36 : memref<!tpu.dma_semaphore, #tpu.memory_space<semaphore_mem>>) src(%dma_wait3A_42 : memref<4096xf32, #tpu.memory_space<vmem>>) dst(%dma_wait3A_39 : memref<4096xf32, #tpu.memory_space<hbm>>)
    return
  }
}

</mosaic_0001>

<sc_bundles>
// kernel: kernel.3.cloned.1.call-start
scs
__scs_entry_jumppad:
0x0: {  	(pc) =	sbr.rel $0x88, $3  }
0x1: {  	(tag) =	ssettag $0x0;
	lr =	simm.s32 $0x1  }
0x2: {  	[smem:$0x3F9F] =	sst lr;
	_ =	strace $0xD0000000  }
0x3: {  	_ = 	snop  }
0x4: {  	_ = 	snop  }
0x5: {  	_ = 	snop  }
0x6: {  	_ = 	snop  }
0x7: {  	_ = 	snop  }
__scs_overlays_trampoline_lowered:
0x8: {  	[smem:$0x3FAE] =	sst s0  }
0x9: {  	[smem:$0x3FAF] =	sst s1  }
0xa: {  	[smem:$0x3FB0] =	sst s2  }
0xb: {  	[smem:$0x3FB1] =	sst s3  }
0xc: {  	[smem:$0x3FB2] =	sst s4  }
0xd: {  	[smem:$0x3FB3] =	sst s5  }
0xe: {  	[smem:$0x3FB4] =	sst s6  }
0xf: {  	[smem:$0x3FB5] =	sst s7  }
0x10: {  	[smem:$0x3FB6] =	sst s8  }
0x11: {  	[smem:$0x3FB7] =	sst s9;
	s0 =	simm.s32 @!p0 $0x0  }
0x12: {  	s1 =	sld [smem:$0x3F9D];
	s0 =	simm.s32 @p0 $0x1  }
0x13: {  	[smem:$0x3FB8] =	sst s0;
	s0 =	simm.s32 @!p1 $0x0  }
0x14: {  	s2 =	sld [smem:$0x3F9C];
	s0 =	simm.s32 @p1 $0x1  }
0x15: {  	[smem:$0x3FB9] =	sst s0;
	s0 =	simm.s32 @!p2 $0x0  }
0x16: {  	s3 =	sld [smem:$0x3FDB];
	s0 =	simm.s32 @p2 $0x1  }
0x17: {  	s4 =	simm.s32 $0x1BF5;
	[smem:$0x3FBB] =	sst s0  }
0x18: {  	s0 =	sld [smem:$0x3F9E];
	_ =	swait.ge [sflag:s4], $0x0  }
0x19: {  	s7 =	sld [smem:$0x3F9F]  }
0x1a: {  	s8 =	sadd.s32 $0xFFFFE003, lr  }
0x1b: {  	s9 =	sadd.s32 $0xFFFFFEF7, lr;
	s5 =	simm.s32 $0xFFFFFFFF;
	p2 =	slt.u32 s8, $0xFFFFF086  }
0x1c: {  	p1 =	slt.u32 s9, $0xF7A;
	s5 =	simm.s32 @!p2 $0x0  }
0x1d: {  	s5 =	simm.s32 @p1 $0x1;
	p0 =	seq.s32 s7, s2  }
0x1e: {  	s7 =	smul.u32 @!p0 $0xF7A, s2;
	p2 =	seq.s32 @!p0 s5, $0x0  }
0x1f: {  	s9 =	smul.u32 $0xF7A, s1;
	s8 =	simm.s32 @!p0 $0x1BF5;
	p2 =	por !p2, p0  }
0x20: {  	[sflag:s8] =	ssyncset.s32 @!p0 $0xFFFFF086;
	s6 =	sadd.s32 @!p0 s3, s7;
	s7 =	simm.s32 @!p0 $0x108  }
0x21: {  	s3 =	sadd.s32 s3, s9;
	s6 =	sadd.s32 @!p0 $0x88, s6;
	s7 =	simm.s32 @p2 $0x1082  }
0x22: {  	[simem:s7], [sflag:s8] =	dma.local @!p0 [hbm:s6], $0xF7A  }
0x23: {  	s9 =	sor.u32 $0xD0000000, s2;
	s6 =	simm.s32 $0x108;
	_ =	swait.ge @!p0 [sflag:s8], $0x0  }
0x24: {  	s3 =	sadd.s32 $0x88, s3;
	s6 =	simm.s32 @!p1 $0x1082;
	[sflag:s4] =	ssyncset.s32 $0xFFFFF086  }
0x25: {  	[simem:s6], [sflag:s4] =	dma.local [hbm:s3], $0xF7A  }
0x26: {  	[smem:$0x3F9F] =	sst s1;
	(tag) =	ssettag s2;
	_ =	strace s9  }
0x27: {  	s1 =	sld [smem:$0x3FAF]  }
0x28: {  	s2 =	sld [smem:$0x3FB0]  }
0x29: {  	s4 =	sld [smem:$0x3FB2]  }
0x2a: {  	p0 =	seq.s32 s5, $0x0;
	s5 =	sld [smem:$0x3FB3]  }
0x2b: {  	s6 =	sld [smem:$0x3FB4]  }
0x2c: {  	s7 =	sld [smem:$0x3FB5]  }
0x2d: {  	s3 =	simm.s32 $0x108;
	s8 =	sld [smem:$0x3FB6]  }
0x2e: {  	s3 =	simm.s32 @!p0 $0x1082;
	s9 =	sld [smem:$0x3FB7]  }
0x2f: {  	lr =	sadd.s32 s0, s3;
	s0 =	sld [smem:$0x3FAE]  }
0x30: {  	s3 =	sld [smem:$0x3FB1]  }
0x31: {  	[smem:$0x3FBA] =	sst s10  }
0x32: {  	s10 =	sld [smem:$0x3FB8];
	_ =	sdelay $0x3  }
0x33: {  	p0 =	seq.s32 s10, $0x1;
	s10 =	sld [smem:$0x3FBA];
	_ =	sdelay $0x3  }
0x34: {  	[smem:$0x3FBA] =	sst s10  }
0x35: {  	s10 =	sld [smem:$0x3FB9];
	_ =	sdelay $0x3  }
0x36: {  	p1 =	seq.s32 s10, $0x1;
	s10 =	sld [smem:$0x3FBA];
	_ =	sdelay $0x3  }
0x37: {  	[smem:$0x3FBA] =	sst s10  }
0x38: {  	s10 =	sld [smem:$0x3FBB]  }
0x39: {  	_ = 	snop;
	(pc) =	sbr.ind lr, $3  }
0x3a: {  	_ = 	snop  }
0x3b: {  	_ = 	snop  }
0x3c: {  	p2 =	seq.s32 s10, $0x1;
	s10 =	sld [smem:$0x3FBA]  }
0x3d: {  	_ =	shalt  }
0x3e: {  	_ =	shalt  }
0x3f: {  	_ =	shalt  }
0x40: {  	_ =	shalt  }
0x41: {  	_ =	shalt  }
0x42: {  	_ =	shalt  }
0x43: {  	_ =	shalt  }
0x44: {  	_ =	shalt  }
0x45: {  	_ =	shalt  }
0x46: {  	_ =	shalt  }
0x47: {  	_ =	shalt  }
0x48: {  	_ =	shalt  }
0x49: {  	_ =	shalt  }
0x4a: {  	_ =	shalt  }
0x4b: {  	_ =	shalt  }
0x4c: {  	_ =	shalt  }
0x4d: {  	_ =	shalt  }
0x4e: {  	_ =	shalt  }
0x4f: {  	_ =	shalt  }
0x50: {  	_ =	shalt  }
0x51: {  	_ =	shalt  }
0x52: {  	_ =	shalt  }
0x53: {  	_ =	shalt  }
0x54: {  	_ =	shalt  }
0x55: {  	_ =	shalt  }
0x56: {  	_ =	shalt  }
0x57: {  	_ =	shalt  }
0x58: {  	_ =	shalt  }
0x59: {  	_ =	shalt  }
0x5a: {  	_ =	shalt  }
0x5b: {  	_ =	shalt  }
0x5c: {  	_ =	shalt  }
0x5d: {  	_ =	shalt  }
0x5e: {  	_ =	shalt  }
0x5f: {  	_ =	shalt  }
0x60: {  	_ =	shalt  }
0x61: {  	_ =	shalt  }
0x62: {  	_ =	shalt  }
0x63: {  	_ =	shalt  }
0x64: {  	_ =	shalt  }
0x65: {  	_ =	shalt  }
0x66: {  	_ =	shalt  }
0x67: {  	_ =	shalt  }
0x68: {  	_ =	shalt  }
0x69: {  	_ =	shalt  }
0x6a: {  	_ =	shalt  }
0x6b: {  	_ =	shalt  }
0x6c: {  	_ =	shalt  }
0x6d: {  	_ =	shalt  }
0x6e: {  	_ =	shalt  }
0x6f: {  	_ =	shalt  }
0x70: {  	_ =	shalt  }
0x71: {  	_ =	shalt  }
0x72: {  	_ =	shalt  }
0x73: {  	_ =	shalt  }
0x74: {  	_ =	shalt  }
0x75: {  	_ =	shalt  }
0x76: {  	_ =	shalt  }
0x77: {  	_ =	shalt  }
0x78: {  	_ =	shalt  }
0x79: {  	_ =	shalt  }
0x7a: {  	_ =	shalt  }
0x7b: {  	_ =	shalt  }
0x7c: {  	_ =	shalt  }
0x7d: {  	_ =	shalt  }
0x7e: {  	_ =	shalt  }
0x7f: {  	_ =	shalt  }
0x80: {  	_ =	shalt  }
0x81: {  	_ =	shalt  }
0x82: {  	_ =	shalt  }
0x83: {  	_ =	shalt  }
0x84: {  	_ =	shalt  }
0x85: {  	_ =	shalt  }
0x86: {  	_ =	shalt  }
0x87: {  	_ =	shalt  }
.Lfunc_end0:
.L_simem_size_0:
called_computation_lowered:
.L_overlay_start_0:
0x88: {  	s2 =	sld [smem:$0x3FD9]  }
0x89: {  	s3 =	sld [smem:$0x3FFE];
	_ =	sdelay $0x1  }
0x8a: {  	s1 =	srdreg.scid  }
0x8b: {  	s0 =	sand.u32 $0x1, s1  }
0x8c: {  	s18 =	sshll.u32 s0, $0xA;
	s2 =	sadd.s32 s3, s2  }
0x8d: {  	s2 =	sadd.s32 s2, s18  }
0x8e: {  	[smem:$0x3FC6] =	sst s2  }
0x8f: {  	_ = 	snop  }
0x90: {  	s2 =	sld [smem:$0x3FC9]  }
0x91: {  	s19 =	sld [smem:$0x3FC8]  }
0x92: {  	s4 =	sld [smem:$0x3FD0];
	(tm) =	ssettm $0x1  }
0x93: {  	s5 =	sld [smem:$0x3FFB];
	_ =	sdelay $0x3  }
0x94: {  	_ =	strace s5  }
0x95: {  	s5 =	sld [smem:$0x3FFC];
	_ =	sdelay $0x3  }
0x96: {  	_ =	strace s5  }
0x97: {  	s5 =	sld [smem:$0x3FFD];
	_ =	sdelay $0x3  }
0x98: {  	_ =	strace s5  }
0x99: {  	_ =	strace $0x8FFFFFFF  }
0x9a: {  	s20 =	sld [smem:$0x3FDB];
	_ =	sdelay $0x1  }
0x9b: {  	s6 =	simm.s32 $_scs_section_size  }
0x9c: {  	s7 =	simm.s32 $_size__tile_overlayer_lowered;
	s8 =	simm.s32 $_tile_overlayer_lowered  }
0x9d: {  	s23 =	simm.s32 $0x1BFF;
	s22 =	sshll.u32 s8, $0x1;
	s5 =	sadd.s32 s6, s20  }
0x9e: {  	s9 =	simm.s32 $0x0;
	s21 =	sshll.u32 s7, $0x1;
	s7 =	sadd.s32 s22, s5  }
0x9f: {  	[timem:s9], [sflag:s23] =	dma.local [hbm:s7], s21  }
0xa0: {  	_ =	swait.ge [sflag:s23], s21  }
0xa1: {  	s6 =	ssub.s32 $0x0, s21;
	[sflag:s23] =	ssyncset.done $0x0  }
0xa2: {  	[sflag:s23] =	ssyncadd.s32 s6;
	_ =	sdelay $0x1  }
0xa3: {  	s24 =	simm.s32 $0x1B8B  }
0xa4: {  	_ =	swait.ge [sflag:s24], $0x1  }
0xa5: {  	[sflag:s24] =	ssyncset.done $0x0  }
0xa6: {  	s25 =	simm.s32 $0x1B8E;
	[sflag:s24] =	ssyncadd.s32 $0xFFFFFFFF  }
0xa7: {  	s26 =	simm.s32 $execute0_lowered;
	[smem:$0x3FD2] =	sst s25  }
0xa8: {  	s6 =	sshll.u32 s26, $0x1;
	_ =	strace $0x80000046;
	[dreg:$0x1] =	wrdreg $0xFFFFFFFF  }
0xa9: {  	s28 =	simm.s32 $_size_execute0_lowered;
	s5 =	sadd.s32 s5, s6;
	[dreg:$0x0] =	wrdreg $0x0  }
0xaa: {  	s6 =	sshll.u32 s28, $0x1;
	[dreg:$0x2] =	wrdreg s5  }
0xab: {  	[dreg:$0x3] =	wrdreg s6  }
0xac: {  	[dreg:$0x4] =	wrdreg $0xC0  }
0xad: {  	_ =	task [dreg:s9], $0x5FFFF  }
0xae: {  	[dreg:$0x1] =	wrdreg $0xFFFFFFFF  }
0xaf: {  	[dreg:$0x0] =	wrdreg $0x60  }
0xb0: {  	[dreg:$0x2] =	wrdreg s2  }
0xb1: {  	[dreg:$0x3] =	wrdreg s19  }
0xb2: {  	[dreg:$0x4] =	wrdreg s4  }
0xb3: {  	[dreg:$0x5] =	wrdreg $0x9  }
0xb4: {  	_ =	task.clear_ibuf [dreg:s9], $0x6FFFF;
	_ =	strace $0x90000046  }
0xb5: {  	s29 =	simm.s32 $0x9;
	_ =	strace $0x80000048  }
0xb6: {  	_ =	swait.ge [sflag:s29], $0x1  }
0xb7: {  	[sflag:s29] =	ssyncadd.s32 $0xFFFFFFFF  }
0xb8: {  	_ =	strace $0x90000048  }
0xb9: {  	_ =	sfence  }
0xba: {  	s30 =	sld [smem:$0x0];
	_ =	sdelay $0x2  }
0xbb: {  	s31 =	sshll.u32 s1, $0xD;
	s1 =	sshrl.u32 s1, $0x2  }
0xbc: {  	s3 =	sand.u32 $0x4000, s31;
	s1 =	sadd.s32 s1, s30  }
0xbd: {  	s0 =	sor.u32 s3, s0;
	s1 =	sshll.u32 s1, $0x11  }
0xbe: {  	s0 =	sor.u32 s1, s0  }
0xbf: {  	s0 =	sadd.s32 $0x8F2B, s0  }
0xc0: {  	[sflag:s0] =	ssyncadd.remote.s32 $0x1  }
0xc1: {  	_ =	sfence.sel $0xFFFF  }
0xc2: {  	[dreg:$0x0] =	wrdreg $0xFFFFFFFF;
	(pc) =	sbr.abs _section_cstart, $3  }
0xc3: {  	[dreg:$0x1] =	wrdreg $0xFFFFFFFF  }
0xc4: {  	_ =	task.clear_ibuf [dreg:s9], $0x2FFFF;
	_ =	strace $0x9FFFFFFF  }
0xc5: {  	(tm) =	ssettm $0x7FFFFFFF  }
tec
execute0_lowered:
.L_overlay_start_1:
0x0: {  	(tag) =	ssettag $0x1  }
0x1: {  	s1 =	rddreg [dreg:$0x0]  }
0x2: {  	s2 =	rddreg [dreg:$0x1]  }
0x3: {  	s4 =	rddreg [dreg:$0x2]  }
0x4: {  	s0 =	rddreg [dreg:$0x3];
	s6 =	srdreg.scid  }
0x5: {  	s5 =	simm.s32 $0x0;
	s3 =	stileid.u32;
	s11 =	simm.s32 $0x80  }
0x6: {  	s12 =	simm.s32 $0x400;
	s13 =	simm.s32 $0x1;
	s14 =	simm.s32 $0x2  }
0x7: {  	s15 =	simm.s32 $0x3;
	s16 =	simm.s32 $0x0;
	s6 =	sand.u32 $0x1, s6  }
0x8: {  	[smem:$0x7FF] =	sst s5;
	s8 =	sshll.u32 s3, $0x1;
	s7 =	ssub.s32 $0x2, s6  }
0x9: {  	_ =	strace $0x80000047;
	s6 =	sor.u32 s6, s8;
	s9 =	sshrl.u32 s7, $0x1  }
0xa: {  	s8 =	sadd.s32 $0x2000, s4;
	s6 =	smul.u32 $0x1A, s6;
	s10 =	ssub.s32 s7, s9  }
0xb: {  	s7 =	sadd.s32 $0x1000, s4;
	s9 =	sadd.s32 $0x3000, s4;
	s10 =	smax.u32 s10, $0x1  }
.LBB2_1:
0xc: {  	s18 =	simm.s32 $0xFFFFFFFF;
	s17 =	simm.s32 $0x0  }
.LBB2_2:
0xd: {  	s21 =	sadd.s32 s6, s17  }
0xe: {  	s19 =	sshrl.u32 s21, $0x3  }
0xf: {  	s20 =	sshll.u32 s21, $0x7;
	s22 =	smul.u32 $0xC3800, s19  }
0x10: {  	s23 =	smov.u32 s18;
	s18 =	sshrl.u32 s21, $0x5;
	s20 =	sand.u32 $0x380, s20  }
0x11: {  	p0 =	seq.s32 s18, s23;
	s22 =	sor.u32 s20, s22  }
0x12: {  	s21 =	sshll.u32 @!p0 s18, $0x4;
	s22 =	sshrl.u32 s22, $0x3  }
0x13: {  	s21 =	sand.u32 @!p0 $0x70, s21;
	s30 =	sadd.s32 s2, s22;
	s22 =	sshll.u32 @!p0 s18, $0xB  }
0x14: {  	[tilespmem:s5], [sflag:$0x1] =	stream.strided.gather [hbm4b:s30+s11], $0x18700, s12, s11, $0x38;
	[tilespmem:$0x1E700] =	vst v63  }
0x15: {  	s23 =	simm.s32 @!p0 $0x400;
	s21 =	sadd.s32 @!p0 s1, s21;
	s22 =	sand.u32 @!p0 $0xFFFC000, s22  }
0x16: {  	s24 =	simm.s32 @!p0 $0x18700;
	s21 =	sadd.s32 @!p0 s22, s21;
	s22 =	simm.s32 @!p0 $0x80  }
0x17: {  	[tilespmem:s24], [sflag:$0x4] =	stream.strided.gather @!p0 [hbm4b:s21+s22], $0x4000, s23, s22, $0x38;
	[tilespmem:$0x1E700] =	vst v63  }
0x18: {  	s21 =	simm.s32 @!p0 $0x4  }
0x19: {  	_ =	swait.ge @!p0 [sflag:s21], $0x4000  }
0x1a: {  	[sflag:s21] =	ssyncset.done @!p0 $0x0  }
0x1b: {  	[sflag:s21] =	ssyncadd.s32 @!p0 $0xFFFFC000  }
0x1c: {  	_ =	swait.ge [sflag:s13], $0x18700  }
0x1d: {  	p0 =	seq.s32 s17, $0x0;
	[sflag:s13] =	ssyncset.done $0x0  }
0x1e: {  	s21 =	simm.s32 @!p0 $0x2;
	[sflag:s13] =	ssyncadd.s32 $0xFFFE7900  }
0x1f: {  	_ =	swait.ge @!p0 [sflag:s21], $0x1000  }
0x20: {  	[sflag:s21] =	ssyncset.done @!p0 $0x0  }
0x21: {  	s31 =	simm.s32 $0x18740;
	[sflag:s21] =	ssyncadd.s32 @!p0 $0xFFFFF000  }
0x22: {  	v0 =	vld [tilespmem:s31+$0x30]  }
0x23: {  	v1 =	vld [tilespmem:s31+$0xFFFFFFD0]  }
0x24: {  	v2 =	vld [tilespmem:s31+$0xFFFFFFE0]  }
0x25: {  	v3 =	vld [tilespmem:s31+$0xFFFFFFF0]  }
0x26: {  	v6 =	vld [tilespmem:s31+$0x0]  }
0x27: {  	v7 =	vld [tilespmem:s31+$0x10]  }
0x28: {  	v8 =	vld [tilespmem:s31+$0x20]  }
0x29: {  	v9 =	vld [tilespmem:s31+$0xFFFFFFC0]  }
0x2a: {  	v10 =	vld.idx.msk [tilespmem:v0+s5+$0x0], $0xffff  }
0x2b: {  	v11 =	vld.idx.msk [tilespmem:v1+s5+$0x0], $0xffff  }
0x2c: {  	v5 =	vld.idx.msk [tilespmem:v2+s5+$0x0], $0xffff  }
0x2d: {  	v4 =	vld.idx.msk [tilespmem:v3+s5+$0x0], $0xffff  }
0x2e: {  	v3 =	vld.idx.msk [tilespmem:v6+s5+$0x0], $0xffff  }
0x2f: {  	s21 =	simm.s32 $0x1C740;
	v2 =	vld.idx.msk [tilespmem:v7+s5+$0x0], $0xffff  }
0x30: {  	v0 =	vld.idx.msk [tilespmem:v8+s5+$0x0], $0xffff;
	[tilespmem:s21+$0x30] =	vst v10  }
0x31: {  	s22 =	simm.s32 $0x0;
	s23 =	simm.s32 $0x187C0;
	v1 =	vld.idx.msk [tilespmem:v9+s5+$0x0], $0xffff;
	[tilespmem:s21+$0xFFFFFFD0] =	vst v11  }
.LBB2_3:
0x32: {  	v6 =	vld [tilespmem:s23+$0x30];
	s22 =	sadd.s32 $0x80, s22;
	[tilespmem:s21+$0xFFFFFFE0] =	vst v5  }
0x33: {  	v5 =	vld [tilespmem:s23+$0xFFFFFFD0];
	p1 =	slt.u32 s22, $0xF80;
	[tilespmem:s21+$0xFFFFFFF0] =	vst v4  }
0x34: {  	v4 =	vld [tilespmem:s23+$0xFFFFFFE0];
	[tilespmem:s21+$0x0] =	vst v3  }
0x35: {  	v3 =	vld [tilespmem:s23+$0xFFFFFFF0];
	[tilespmem:s21+$0x10] =	vst v2  }
0x36: {  	v2 =	vld [tilespmem:s23+$0x0];
	[tilespmem:s21+$0x20] =	vst v0  }
0x37: {  	v0 =	vld [tilespmem:s23+$0x10];
	[tilespmem:s21+$0xFFFFFFC0] =	vst v1  }
0x38: {  	v1 =	vld [tilespmem:s23+$0x20]  }
0x39: {  	v7 =	vld [tilespmem:s23+$0xFFFFFFC0]  }
0x3a: {  	v6 =	vld.idx.msk [tilespmem:v6+s5+$0x0], $0xffff  }
0x3b: {  	v8 =	vld.idx.msk [tilespmem:v5+s5+$0x0], $0xffff  }
0x3c: {  	v5 =	vld.idx.msk [tilespmem:v4+s5+$0x0], $0xffff  }
.Ltmp0:
0x3d: {  	v4 =	vld.idx.msk [tilespmem:v3+s5+$0x0], $0xffff;
	(pc) =	sbr.rel @p1 .LBB2_3-.Ltmp0, $4  }
0x3e: {  	v3 =	vld.idx.msk [tilespmem:v2+s5+$0x0], $0xffff  }
0x3f: {  	s21 =	sadd.s32 $0x100, s21;
	v2 =	vld.idx.msk [tilespmem:v0+s5+$0x0], $0xffff  }
0x40: {  	v0 =	vld.idx.msk [tilespmem:v1+s5+$0x0], $0xffff;
	[tilespmem:s21+$0x30] =	vst v6  }
0x41: {  	s23 =	sadd.s32 $0x80, s23;
	v1 =	vld.idx.msk [tilespmem:v7+s5+$0x0], $0xffff;
	[tilespmem:s21+$0xFFFFFFD0] =	vst v8  }
0x42: {  	[tilespmem:s21+$0xFFFFFFE0] =	vst v5  }
0x43: {  	[tilespmem:s21+$0xFFFFFFF0] =	vst v4;
	s19 =	sshll.u32 s19, $0x11  }
0x44: {  	[tilespmem:s21+$0x0] =	vst v3;
	s19 =	sor.u32 s20, s19  }
0x45: {  	[tilespmem:s21+$0x10] =	vst v2;
	s19 =	sshrl.u32 s19, $0x3  }
0x46: {  	s22 =	simm.s32 $0x1C700;
	[tilespmem:s21+$0x20] =	vst v0;
	s20 =	sadd.s32 s4, s19  }
0x47: {  	s23 =	simm.s32 $0x1C800;
	[tilespmem:s21+$0xFFFFFFC0] =	vst v1;
	s21 =	simm.s32 $0x80;
	s24 =	sadd.s32 $0x0, s20  }
.LBB2_5:
0x48: {  	[hbm4b:s24+s5] =	stream.linear.scatter [tilespmem:s22], [sflag:$0x2], $0x80, $0x38;
	[tilespmem:$0x1E700] =	vst v63  }
0x49: {  	s24 =	smov.u32 s21;
	s22 =	smov.u32 s23;
	p1 =	sne.s32 s21, $0xF80  }
.Ltmp1:
0x4a: {  	s21 =	sadd.s32 $0x80, s21;
	(pc) =	sbr.rel @p1 .LBB2_5-.Ltmp1, $2  }
0x4b: {  	_ =	sdelay $0x2  }
0x4c: {  	s23 =	sadd.s32 $0x100, s23;
	s24 =	sadd.s32 s24, s20  }
0x4d: {  	[hbm4b:s24+s5] =	stream.linear.scatter [tilespmem:s22], [sflag:$0x2], $0x80, $0x38;
	[tilespmem:$0x1E700] =	vst v63  }
0x4e: {  	s20 =	simm.s32 @!p0 $0x3  }
0x4f: {  	_ =	swait.ge @!p0 [sflag:s20], $0x1000  }
0x50: {  	[sflag:s20] =	ssyncset.done @!p0 $0x0  }
0x51: {  	s31 =	simm.s32 $0x19770;
	[sflag:s20] =	ssyncadd.s32 @!p0 $0xFFFFF000  }
0x52: {  	v0 =	vld [tilespmem:s31+$0x0]  }
0x53: {  	v1 =	vld [tilespmem:s31+$0xFFFFFFA0]  }
0x54: {  	v2 =	vld [tilespmem:s31+$0xFFFFFFB0]  }
0x55: {  	v3 =	vld [tilespmem:s31+$0xFFFFFFC0]  }
0x56: {  	v6 =	vld [tilespmem:s31+$0xFFFFFFD0]  }
0x57: {  	v7 =	vld [tilespmem:s31+$0xFFFFFFE0]  }
0x58: {  	v8 =	vld [tilespmem:s31+$0xFFFFFFF0]  }
0x59: {  	v9 =	vld [tilespmem:s31+$0xFFFFFF90]  }
0x5a: {  	v10 =	vld.idx.msk [tilespmem:v0+s5+$0x0], $0xffff  }
0x5b: {  	v11 =	vld.idx.msk [tilespmem:v1+s5+$0x0], $0xffff  }
0x5c: {  	v5 =	vld.idx.msk [tilespmem:v2+s5+$0x0], $0xffff  }
0x5d: {  	v4 =	vld.idx.msk [tilespmem:v3+s5+$0x0], $0xffff  }
0x5e: {  	v0 =	vld.idx.msk [tilespmem:v6+s5+$0x0], $0xffff  }
0x5f: {  	s20 =	simm.s32 $0x1C7F0;
	v1 =	vld.idx.msk [tilespmem:v7+s5+$0x0], $0xffff  }
0x60: {  	v2 =	vld.idx.msk [tilespmem:v8+s5+$0x0], $0xffff;
	[tilespmem:s20+$0x0] =	vst v10  }
0x61: {  	s21 =	simm.s32 $0x0;
	s22 =	simm.s32 $0x197F0;
	v3 =	vld.idx.msk [tilespmem:v9+s5+$0x0], $0xffff;
	[tilespmem:s20+$0xFFFFFFA0] =	vst v11  }
.LBB2_7:
0x62: {  	v6 =	vld [tilespmem:s22+$0x0];
	s21 =	sadd.s32 $0x80, s21;
	[tilespmem:s20+$0xFFFFFFB0] =	vst v5  }
0x63: {  	v5 =	vld [tilespmem:s22+$0xFFFFFFA0];
	p0 =	slt.u32 s21, $0xF80;
	[tilespmem:s20+$0xFFFFFFC0] =	vst v4  }
0x64: {  	v4 =	vld [tilespmem:s22+$0xFFFFFFB0];
	[tilespmem:s20+$0xFFFFFFD0] =	vst v0  }
0x65: {  	v0 =	vld [tilespmem:s22+$0xFFFFFFC0];
	[tilespmem:s20+$0xFFFFFFE0] =	vst v1  }
0x66: {  	v1 =	vld [tilespmem:s22+$0xFFFFFFD0];
	[tilespmem:s20+$0xFFFFFFF0] =	vst v2  }
0x67: {  	v2 =	vld [tilespmem:s22+$0xFFFFFFE0];
	[tilespmem:s20+$0xFFFFFF90] =	vst v3  }
0x68: {  	v3 =	vld [tilespmem:s22+$0xFFFFFFF0]  }
0x69: {  	v7 =	vld [tilespmem:s22+$0xFFFFFF90]  }
0x6a: {  	v6 =	vld.idx.msk [tilespmem:v6+s5+$0x0], $0xffff  }
0x6b: {  	v8 =	vld.idx.msk [tilespmem:v5+s5+$0x0], $0xffff  }
0x6c: {  	v5 =	vld.idx.msk [tilespmem:v4+s5+$0x0], $0xffff  }
.Ltmp2:
0x6d: {  	v4 =	vld.idx.msk [tilespmem:v0+s5+$0x0], $0xffff;
	(pc) =	sbr.rel @p0 .LBB2_7-.Ltmp2, $4  }
0x6e: {  	v0 =	vld.idx.msk [tilespmem:v1+s5+$0x0], $0xffff  }
0x6f: {  	s20 =	sadd.s32 $0x100, s20;
	v1 =	vld.idx.msk [tilespmem:v2+s5+$0x0], $0xffff  }
0x70: {  	v2 =	vld.idx.msk [tilespmem:v3+s5+$0x0], $0xffff;
	[tilespmem:s20+$0x0] =	vst v6  }
0x71: {  	s22 =	sadd.s32 $0x80, s22;
	v3 =	vld.idx.msk [tilespmem:v7+s5+$0x0], $0xffff;
	[tilespmem:s20+$0xFFFFFFA0] =	vst v8  }
0x72: {  	[tilespmem:s20+$0xFFFFFFB0] =	vst v5  }
0x73: {  	[tilespmem:s20+$0xFFFFFFC0] =	vst v4  }
0x74: {  	[tilespmem:s20+$0xFFFFFFD0] =	vst v0  }
0x75: {  	[tilespmem:s20+$0xFFFFFFE0] =	vst v1  }
0x76: {  	s21 =	sadd.s32 s19, s7;
	s22 =	simm.s32 $0x1C780;
	[tilespmem:s20+$0xFFFFFFF0] =	vst v2  }
0x77: {  	s23 =	simm.s32 $0x1C880;
	s24 =	sadd.s32 $0x0, s21;
	[tilespmem:s20+$0xFFFFFF90] =	vst v3;
	s20 =	simm.s32 $0x80  }
.LBB2_9:
0x78: {  	[hbm4b:s24+s5] =	stream.linear.scatter [tilespmem:s22], [sflag:$0x3], $0x80, $0x38;
	[tilespmem:$0x1E700] =	vst v63  }
0x79: {  	s24 =	smov.u32 s20;
	s22 =	smov.u32 s23;
	p0 =	sne.s32 s20, $0xF80  }
.Ltmp3:
0x7a: {  	s20 =	sadd.s32 $0x80, s20;
	(pc) =	sbr.rel @p0 .LBB2_9-.Ltmp3, $2  }
0x7b: {  	_ =	sdelay $0x2  }
0x7c: {  	s23 =	sadd.s32 $0x100, s23;
	s24 =	sadd.s32 s24, s21  }
0x7d: {  	[hbm4b:s24+s5] =	stream.linear.scatter [tilespmem:s22], [sflag:$0x3], $0x80, $0x38;
	[tilespmem:$0x1E700] =	vst v63  }
0x7e: {  	_ =	swait.ge [sflag:s14], $0x1000  }
0x7f: {  	[sflag:s14] =	ssyncset.done $0x0  }
0x80: {  	s20 =	simm.s32 $0x1A770;
	[sflag:s14] =	ssyncadd.s32 $0xFFFFF000  }
0x81: {  	v0 =	vld [tilespmem:s20+$0x0]  }
0x82: {  	v1 =	vld [tilespmem:s20+$0xFFFFFFA0]  }
0x83: {  	v2 =	vld [tilespmem:s20+$0xFFFFFFB0]  }
0x84: {  	v3 =	vld [tilespmem:s20+$0xFFFFFFC0]  }
0x85: {  	v6 =	vld [tilespmem:s20+$0xFFFFFFD0]  }
0x86: {  	v7 =	vld [tilespmem:s20+$0xFFFFFFE0]  }
0x87: {  	v8 =	vld [tilespmem:s20+$0xFFFFFFF0]  }
0x88: {  	v9 =	vld [tilespmem:s20+$0xFFFFFF90]  }
0x89: {  	v10 =	vld.idx.msk [tilespmem:v0+s5+$0x0], $0xffff  }
0x8a: {  	v11 =	vld.idx.msk [tilespmem:v1+s5+$0x0], $0xffff  }
0x8b: {  	v5 =	vld.idx.msk [tilespmem:v2+s5+$0x0], $0xffff  }
0x8c: {  	v4 =	vld.idx.msk [tilespmem:v3+s5+$0x0], $0xffff  }
0x8d: {  	v0 =	vld.idx.msk [tilespmem:v6+s5+$0x0], $0xffff  }
0x8e: {  	s20 =	simm.s32 $0x1C740;
	v1 =	vld.idx.msk [tilespmem:v7+s5+$0x0], $0xffff  }
0x8f: {  	v2 =	vld.idx.msk [tilespmem:v8+s5+$0x0], $0xffff;
	[tilespmem:s20+$0x30] =	vst v10  }
0x90: {  	s21 =	simm.s32 $0x0;
	s22 =	simm.s32 $0x1A7F0;
	v3 =	vld.idx.msk [tilespmem:v9+s5+$0x0], $0xffff;
	[tilespmem:s20+$0xFFFFFFD0] =	vst v11  }
.LBB2_11:
0x91: {  	v6 =	vld [tilespmem:s22+$0x0];
	s21 =	sadd.s32 $0x80, s21;
	[tilespmem:s20+$0xFFFFFFE0] =	vst v5  }
0x92: {  	v5 =	vld [tilespmem:s22+$0xFFFFFFA0];
	p0 =	slt.u32 s21, $0xF80;
	[tilespmem:s20+$0xFFFFFFF0] =	vst v4  }
0x93: {  	v4 =	vld [tilespmem:s22+$0xFFFFFFB0];
	[tilespmem:s20+$0x0] =	vst v0  }
0x94: {  	v0 =	vld [tilespmem:s22+$0xFFFFFFC0];
	[tilespmem:s20+$0x10] =	vst v1  }
0x95: {  	v1 =	vld [tilespmem:s22+$0xFFFFFFD0];
	[tilespmem:s20+$0x20] =	vst v2  }
0x96: {  	v2 =	vld [tilespmem:s22+$0xFFFFFFE0];
	[tilespmem:s20+$0xFFFFFFC0] =	vst v3  }
0x97: {  	v3 =	vld [tilespmem:s22+$0xFFFFFFF0]  }
0x98: {  	v7 =	vld [tilespmem:s22+$0xFFFFFF90]  }
0x99: {  	v6 =	vld.idx.msk [tilespmem:v6+s5+$0x0], $0xffff  }
0x9a: {  	v8 =	vld.idx.msk [tilespmem:v5+s5+$0x0], $0xffff  }
0x9b: {  	v5 =	vld.idx.msk [tilespmem:v4+s5+$0x0], $0xffff  }
.Ltmp4:
0x9c: {  	v4 =	vld.idx.msk [tilespmem:v0+s5+$0x0], $0xffff;
	(pc) =	sbr.rel @p0 .LBB2_11-.Ltmp4, $4  }
0x9d: {  	v0 =	vld.idx.msk [tilespmem:v1+s5+$0x0], $0xffff  }
0x9e: {  	s20 =	sadd.s32 $0x100, s20;
	v1 =	vld.idx.msk [tilespmem:v2+s5+$0x0], $0xffff  }
0x9f: {  	v2 =	vld.idx.msk [tilespmem:v3+s5+$0x0], $0xffff;
	[tilespmem:s20+$0x30] =	vst v6  }
0xa0: {  	s22 =	sadd.s32 $0x80, s22;
	v3 =	vld.idx.msk [tilespmem:v7+s5+$0x0], $0xffff;
	[tilespmem:s20+$0xFFFFFFD0] =	vst v8  }
0xa1: {  	[tilespmem:s20+$0xFFFFFFE0] =	vst v5  }
0xa2: {  	[tilespmem:s20+$0xFFFFFFF0] =	vst v4  }
0xa3: {  	[tilespmem:s20+$0x0] =	vst v0  }
0xa4: {  	[tilespmem:s20+$0x10] =	vst v1  }
0xa5: {  	s21 =	sadd.s32 s19, s8;
	s22 =	simm.s32 $0x1C700;
	[tilespmem:s20+$0x20] =	vst v2  }
0xa6: {  	s23 =	simm.s32 $0x1C800;
	s24 =	sadd.s32 $0x0, s21;
	[tilespmem:s20+$0xFFFFFFC0] =	vst v3;
	s20 =	simm.s32 $0x80  }
.LBB2_13:
0xa7: {  	[hbm4b:s24+s5] =	stream.linear.scatter [tilespmem:s22], [sflag:$0x2], $0x80, $0x38;
	[tilespmem:$0x1E700] =	vst v63  }
0xa8: {  	s24 =	smov.u32 s20;
	s22 =	smov.u32 s23;
	p0 =	sne.s32 s20, $0xF80  }
.Ltmp5:
0xa9: {  	s20 =	sadd.s32 $0x80, s20;
	(pc) =	sbr.rel @p0 .LBB2_13-.Ltmp5, $2  }
0xaa: {  	_ =	sdelay $0x2  }
0xab: {  	s23 =	sadd.s32 $0x100, s23;
	s24 =	sadd.s32 s24, s21  }
0xac: {  	[hbm4b:s24+s5] =	stream.linear.scatter [tilespmem:s22], [sflag:$0x2], $0x80, $0x38;
	[tilespmem:$0x1E700] =	vst v63  }
0xad: {  	_ =	swait.ge [sflag:s15], $0x1000  }
0xae: {  	[sflag:s15] =	ssyncset.done $0x0  }
0xaf: {  	s20 =	simm.s32 $0x1B770;
	[sflag:s15] =	ssyncadd.s32 $0xFFFFF000  }
0xb0: {  	v0 =	vld [tilespmem:s20+$0x0]  }
0xb1: {  	v1 =	vld [tilespmem:s20+$0xFFFFFFA0]  }
0xb2: {  	v2 =	vld [tilespmem:s20+$0xFFFFFFB0]  }
0xb3: {  	v3 =	vld [tilespmem:s20+$0xFFFFFFC0]  }
0xb4: {  	v6 =	vld [tilespmem:s20+$0xFFFFFFD0]  }
0xb5: {  	v7 =	vld [tilespmem:s20+$0xFFFFFFE0]  }
0xb6: {  	v8 =	vld [tilespmem:s20+$0xFFFFFFF0]  }
0xb7: {  	v9 =	vld [tilespmem:s20+$0xFFFFFF90]  }
0xb8: {  	v10 =	vld.idx.msk [tilespmem:v0+s5+$0x0], $0xffff  }
0xb9: {  	v11 =	vld.idx.msk [tilespmem:v1+s5+$0x0], $0xffff  }
0xba: {  	v5 =	vld.idx.msk [tilespmem:v2+s5+$0x0], $0xffff  }
0xbb: {  	v4 =	vld.idx.msk [tilespmem:v3+s5+$0x0], $0xffff  }
0xbc: {  	v0 =	vld.idx.msk [tilespmem:v6+s5+$0x0], $0xffff  }
0xbd: {  	s20 =	simm.s32 $0x1C7F0;
	v1 =	vld.idx.msk [tilespmem:v7+s5+$0x0], $0xffff  }
0xbe: {  	v2 =	vld.idx.msk [tilespmem:v8+s5+$0x0], $0xffff;
	[tilespmem:s20+$0x0] =	vst v10  }
0xbf: {  	s21 =	simm.s32 $0x0;
	s22 =	simm.s32 $0x1B7F0;
	v3 =	vld.idx.msk [tilespmem:v9+s5+$0x0], $0xffff;
	[tilespmem:s20+$0xFFFFFFA0] =	vst v11  }
.LBB2_15:
0xc0: {  	v6 =	vld [tilespmem:s22+$0x0];
	s21 =	sadd.s32 $0x80, s21;
	[tilespmem:s20+$0xFFFFFFB0] =	vst v5  }
0xc1: {  	v5 =	vld [tilespmem:s22+$0xFFFFFFA0];
	p0 =	slt.u32 s21, $0xF80;
	[tilespmem:s20+$0xFFFFFFC0] =	vst v4  }
0xc2: {  	v4 =	vld [tilespmem:s22+$0xFFFFFFB0];
	[tilespmem:s20+$0xFFFFFFD0] =	vst v0  }
0xc3: {  	v0 =	vld [tilespmem:s22+$0xFFFFFFC0];
	[tilespmem:s20+$0xFFFFFFE0] =	vst v1  }
0xc4: {  	v1 =	vld [tilespmem:s22+$0xFFFFFFD0];
	[tilespmem:s20+$0xFFFFFFF0] =	vst v2  }
0xc5: {  	v2 =	vld [tilespmem:s22+$0xFFFFFFE0];
	[tilespmem:s20+$0xFFFFFF90] =	vst v3  }
0xc6: {  	v3 =	vld [tilespmem:s22+$0xFFFFFFF0]  }
0xc7: {  	v7 =	vld [tilespmem:s22+$0xFFFFFF90]  }
0xc8: {  	v6 =	vld.idx.msk [tilespmem:v6+s5+$0x0], $0xffff  }
0xc9: {  	v8 =	vld.idx.msk [tilespmem:v5+s5+$0x0], $0xffff  }
0xca: {  	v5 =	vld.idx.msk [tilespmem:v4+s5+$0x0], $0xffff  }
.Ltmp6:
0xcb: {  	v4 =	vld.idx.msk [tilespmem:v0+s5+$0x0], $0xffff;
	(pc) =	sbr.rel @p0 .LBB2_15-.Ltmp6, $4  }
0xcc: {  	v0 =	vld.idx.msk [tilespmem:v1+s5+$0x0], $0xffff  }
0xcd: {  	s20 =	sadd.s32 $0x100, s20;
	v1 =	vld.idx.msk [tilespmem:v2+s5+$0x0], $0xffff  }
0xce: {  	v2 =	vld.idx.msk [tilespmem:v3+s5+$0x0], $0xffff;
	[tilespmem:s20+$0x0] =	vst v6  }
0xcf: {  	s22 =	sadd.s32 $0x80, s22;
	v3 =	vld.idx.msk [tilespmem:v7+s5+$0x0], $0xffff;
	[tilespmem:s20+$0xFFFFFFA0] =	vst v8  }
0xd0: {  	[tilespmem:s20+$0xFFFFFFB0] =	vst v5  }
0xd1: {  	[tilespmem:s20+$0xFFFFFFC0] =	vst v4  }
0xd2: {  	[tilespmem:s20+$0xFFFFFFD0] =	vst v0  }
0xd3: {  	[tilespmem:s20+$0xFFFFFFE0] =	vst v1  }
0xd4: {  	s19 =	sadd.s32 s19, s9;
	s21 =	simm.s32 $0x1C780;
	[tilespmem:s20+$0xFFFFFFF0] =	vst v2  }
0xd5: {  	s22 =	simm.s32 $0x1C880;
	s23 =	sadd.s32 $0x0, s19;
	[tilespmem:s20+$0xFFFFFF90] =	vst v3;
	s20 =	simm.s32 $0x80  }
.LBB2_17:
0xd6: {  	[hbm4b:s23+s5] =	stream.linear.scatter [tilespmem:s21], [sflag:$0x3], $0x80, $0x38;
	[tilespmem:$0x1E700] =	vst v63  }
0xd7: {  	s23 =	smov.u32 s20;
	s21 =	smov.u32 s22;
	p0 =	sne.s32 s20, $0xF80  }
.Ltmp7:
0xd8: {  	s20 =	sadd.s32 $0x80, s20;
	(pc) =	sbr.rel @p0 .LBB2_17-.Ltmp7, $2  }
0xd9: {  	_ =	sdelay $0x2  }
0xda: {  	s22 =	sadd.s32 $0x100, s22;
	s23 =	sadd.s32 s23, s19  }
0xdb: {  	s17 =	sadd.s32 $0x1, s17  }
0xdc: {  	p0 =	sne.s32 s17, $0x1A  }
.Ltmp8:
0xdd: {  	_ = 	snop;
	(pc) =	sbr.rel @p0 .LBB2_2-.Ltmp8, $2  }
0xde: {  	_ =	sdelay $0x2  }
0xdf: {  	[hbm4b:s23+s5] =	stream.linear.scatter [tilespmem:s21], [sflag:$0x3], $0x80, $0x38;
	[tilespmem:$0x1E700] =	vst v63  }
0xe0: {  	s16 =	sadd.s32 $0x1, s16  }
0xe1: {  	_ =	swait.ge [sflag:s14], $0x1000;
	p0 =	sne.s32 s16, s10  }
.Ltmp9:
0xe2: {  	[sflag:s14] =	ssyncset.done $0x0;
	(pc) =	sbr.rel @p0 .LBB2_1-.Ltmp9, $4  }
0xe3: {  	[sflag:s14] =	ssyncadd.s32 $0xFFFFF000  }
0xe4: {  	_ =	swait.ge [sflag:s15], $0x1000  }
0xe5: {  	[sflag:s15] =	ssyncset.done $0x0  }
0xe6: {  	[sflag:s15] =	ssyncadd.s32 $0xFFFFF000  }
0xe7: {  	_ =	sfence.sel $0x180000  }
0xe8: {  	[bflag:$0x0] =	sbarrier.arrive $0xFFFF  }
0xe9: {  	p0 =	sne.s32 s3, $0x0;
	_ =	strace $0x90000047  }
0xea: {  	s0 =	sadd.s32 @!p0 $0x100000, s0;
	[bflag:$0x2] =	sbarrier.arrive $0xFFFF  }
0xeb: {  	[sflag:s0] =	ssyncadd.tile.s32 @!p0 $0x1;
	_ =	shalt  }
.Lfunc_end2:
_tile_overlayer_lowered:
.L_overlay_start_2:
0xec: {  	(tag) =	ssettag $0x2  }
0xed: {  	s0 =	rddreg [dreg:$0x0];
	s2 =	stileid.u32  }
0xee: {  	s1 =	rddreg [dreg:$0x1];
	p0 =	sne.s32 s2, $0x0  }
0xef: {  	s3 =	rddreg [dreg:$0x2];
	[bflag:$0x3] =	sbarrier.arrive $0xFFFF;
	s2 =	simm.s32 @!p0 $0x1C04  }
0xf0: {  	[timem:s3], [sflag:s2] =	dma.local @!p0 [hbm:s0], s1  }
0xf1: {  	s0 =	simm.s32 @!p0 $0x4  }
0xf2: {  	_ =	swait.ge @!p0 [sflag:s0], s1  }
0xf3: {  	s1 =	ssub.s32 @!p0 $0x0, s1;
	[sflag:s0] =	ssyncset.done @!p0 $0x0  }
0xf4: {  	[sflag:s0] =	ssyncadd.s32 @!p0 s1  }
0xf5: {  	[bflag:$0x3] =	sbarrier.arrive $0xFFFF  }
0xf6: {  	_ =	shalt  }

</sc_bundles>
